<compile_context>
chip_gen: v7x
topology: tpu7x:2x2x1
jax: 0.10.2.dev20260603
libtpu: 0.0.44.dev20260713+nightly
codegen_flags: <defaults>
</compile_context>

<pallas_src>
import functools

import jax
import jax.numpy as jnp
from jax.experimental import pallas as pl
from jax.experimental.pallas import tpu as pltpu
from jax.experimental.pallas import tpu_sc as plsc

N_TOK = 9216
K_CB = 8192
D_DIM = 256
COMMIT_W = 0.25

NB = 256
GRID = N_TOK // NB


def _tc_body(z_ref, cb_ref, idx_ref, loss_ref, acc_ref, csq_ref, lanes_ref):
    i = pl.program_id(0)

    @pl.when(i == 0)
    def _init():
        acc_ref[...] = jnp.zeros_like(acc_ref)
        cb0 = cb_ref[...]
        csq_ref[...] = jnp.sum(cb0 * cb0, axis=1)[None, :]
        lanes_ref[...] = jax.lax.broadcasted_iota(
            jnp.int32, (1, K_CB), 1).astype(jnp.float32)

    z = z_ref[...]
    cb = cb_ref[...]
    s2 = jax.lax.dot_general(z + z, cb, (((1,), (1,)), ((), ())),
                             preferred_element_type=jnp.float32)
    z_sq = jnp.sum(z * z, axis=1, keepdims=True)
    d = (z_sq - s2) + csq_ref[...]

    m = jnp.min(d, axis=1, keepdims=True)
    idx_f = jnp.min(jnp.where(d == m, lanes_ref[...], float(K_CB)), axis=1)
    idx_ref[...] = idx_f.astype(jnp.int32)

    acc_ref[...] += jnp.sum(m).reshape(1, 1)

    @pl.when(i == GRID - 1)
    def _fini():
        loss_ref[...] = acc_ref[...] * ((1.0 + COMMIT_W) / (N_TOK * D_DIM))


def _tc_stage(z_e, codebook):
    return pl.pallas_call(
        _tc_body,
        grid=(GRID,),
        in_specs=[
            pl.BlockSpec((NB, D_DIM), lambda i: (i, 0)),
            pl.BlockSpec((K_CB, D_DIM), lambda i: (0, 0)),
        ],
        out_specs=[
            pl.BlockSpec((NB,), lambda i: (i,)),
            pl.BlockSpec((1, 1), lambda i: (0, 0)),
        ],
        out_shape=[
            jax.ShapeDtypeStruct((N_TOK,), jnp.int32),
            jax.ShapeDtypeStruct((1, 1), jnp.float32),
        ],
        scratch_shapes=[
            pltpu.VMEM((1, 1), jnp.float32),
            pltpu.VMEM((1, K_CB), jnp.float32),
            pltpu.VMEM((1, K_CB), jnp.float32),
        ],
        compiler_params=pltpu.CompilerParams(
            dimension_semantics=("arbitrary",),
        ),
    )(z_e, codebook)


def _sc_gather_hist(codebook, idx):
    info = plsc.get_sparse_core_info()
    nc, ns = info.num_cores, info.num_subcores
    nw = nc * ns
    bpw = N_TOK // nw
    kps = K_CB // ns
    mesh = plsc.VectorSubcoreMesh(core_axis_name="c", subcore_axis_name="s")

    @functools.partial(
        pl.kernel,
        mesh=mesh,
        out_type=[
            jax.ShapeDtypeStruct((N_TOK, D_DIM), jnp.float32),
            jax.ShapeDtypeStruct((nc, K_CB), jnp.float32),
        ],
        scratch_types=[
            pltpu.VMEM((bpw,), jnp.int32),
            pltpu.VMEM((bpw, D_DIM), jnp.float32),
            pltpu.VMEM((kps,), jnp.float32),
            pltpu.VMEM_SHARED((K_CB,), jnp.float32),
            pltpu.SemaphoreType.DMA,
        ],
    )
    def k(cb_hbm, idx_hbm, out_hbm, cnt_hbm, idx_v, rows_v, fill_v, hist_sh, sem):
        cid = jax.lax.axis_index("c")
        sid = jax.lax.axis_index("s")
        wid = sid * nc + cid
        base = wid * bpw
        pltpu.sync_copy(idx_hbm.at[pl.ds(base, bpw)], idx_v)
        for j in range(kps // 16):
            fill_v[pl.ds(j * 16, 16)] = jnp.zeros((16,), jnp.float32)
        pltpu.sync_copy(fill_v, hist_sh.at[pl.ds(sid * kps, kps)])
        gather = pltpu.async_copy(cb_hbm.at[idx_v], rows_v, sem)
        plsc.subcore_barrier()
        for j in range(bpw // 16):
            fill_v[pl.ds(j * 16, 16)] = jnp.ones((16,), jnp.float32)
        pltpu.sync_copy(fill_v.at[pl.ds(0, bpw)], hist_sh.at[idx_v], add=True)
        plsc.subcore_barrier()
        pltpu.sync_copy(hist_sh.at[pl.ds(sid * kps, kps)],
                        cnt_hbm.at[cid, pl.ds(sid * kps, kps)])
        gather.wait()
        pltpu.sync_copy(rows_v, out_hbm.at[pl.ds(base, bpw)])

    return k(codebook, idx)


def _ppl_body(cnt_ref, ppl_ref):
    counts = cnt_ref[0:1, :] + cnt_ref[1:2, :]
    p = counts * (1.0 / N_TOK)
    ent = -jnp.sum(p * jnp.log(p + 1e-10))
    ppl_ref[...] = jnp.exp(ent).reshape(1, 1)


def _ppl_stage(counts):
    return pl.pallas_call(
        _ppl_body,
        out_shape=jax.ShapeDtypeStruct((1, 1), jnp.float32),
    )(counts)


def kernel(z_e, codebook):
    idx, loss = _tc_stage(z_e, codebook)
    z_q, counts = _sc_gather_hist(codebook, idx)
    ppl = _ppl_stage(counts)
    return (z_q, loss.reshape(()), ppl.reshape(()), idx)

# --- scband reference (transcript-rebuilt; emitter-appended) ---
"""Pipeline reference for scband-vector-quantizer-44169443672822 (READ-ONLY COPY).

The authoritative reference and input builder live on the scoring server;
editing this copy changes nothing except your own understanding.
"""

import jax, jax.numpy as jnp
import numpy as np

N_TOKENS = 9216
K = 8192
D = 256
COMMIT = 0.25


def setup_inputs(seed: int = 0) -> dict:
    key = jax.random.key(seed)
    k1, k2 = jax.random.split(key)
    z_e = jax.random.normal(k1, (N_TOKENS, D), dtype=jnp.float32)
    # nn.Embedding weight with uniform(-1/K, 1/K) init
    codebook = jax.random.uniform(k2, (K, D), minval=-1.0 / K, maxval=1.0 / K, dtype=jnp.float32)
    return {"z_e": z_e, "codebook": codebook}


def reference(z_e, codebook):
    # Pairwise squared L2 distances: ||z - c||^2 = ||z||^2 - 2 z.c + ||c||^2
    # (algebraically identical to (z_e[:,None,:]-codebook[None]).pow(2).sum(-1),
    #  computed via matmul to avoid the [N,K,D] intermediate)
    z_sq = jnp.sum(z_e * z_e, axis=-1, keepdims=True)          # [N,1]
    c_sq = jnp.sum(codebook * codebook, axis=-1)[None, :]      # [1,K]
    dists = z_sq - 2.0 * (z_e @ codebook.T) + c_sq             # [N,K]
    indices = jnp.argmin(dists, axis=-1)                       # [N]
    z_q = jnp.take(codebook, indices, axis=0)                  # [N,D]
    codebook_loss = jnp.mean((z_q - jax.lax.stop_gradient(z_e)) ** 2)
    commitment_loss = jnp.mean((z_e - jax.lax.stop_gradient(z_q)) ** 2)
    z_q_st = z_e + jax.lax.stop_gradient(z_q - z_e)
    one_hot = jax.nn.one_hot(indices, K, dtype=jnp.float32)
    avg_probs = jnp.mean(one_hot, axis=0)
    perplexity = jnp.exp(-jnp.sum(avg_probs * jnp.log(avg_probs + 1e-10)))
    loss = codebook_loss + COMMIT * commitment_loss
    return (z_q_st, loss, perplexity, indices)

if __name__ == "__main__":
    import jax
    _d = setup_inputs()
    print(jax.jit(kernel)(*tuple(_d.values())))

</pallas_src>

<mosaic_0001>
#map = affine_map<(d0, d1) -> (0, 0)>
#map1 = affine_map<(d0, d1) -> (0)>
module attributes {stable_mosaic.version = 14 : i64} {
  func.func @k(%arg0: i32, %arg1: i32, %arg2: memref<8192x256xf32, #tpu.memory_space<hbm>>, %arg3: memref<9216xi32, #tpu.memory_space<hbm>>, %arg4: memref<9216x256xf32, #tpu.memory_space<hbm>>, %arg5: memref<2x8192xf32, #tpu.memory_space<hbm>>, %arg6: memref<288xi32, #tpu.memory_space<vmem>>, %arg7: memref<288x256xf32, #tpu.memory_space<vmem>>, %arg8: memref<512xf32, #tpu.memory_space<vmem>>, %arg9: memref<8192xf32, #tpu.memory_space<vmem_shared>>, %arg10: memref<!tpu.dma_semaphore, #tpu.memory_space<semaphore_mem>>) attributes {dimension_semantics = [#tpu.dimension_semantics<core_parallel>, #tpu.dimension_semantics<subcore_parallel>], iteration_bounds = array<i64: 2, 16>, scalar_prefetch = 0 : i64, scratch_operands = 5 : i64, tpu.core_type = #tpu.core_type<sc_vector_subcore>, window_params = [{transform_indices = #map}, {transform_indices = #map1}, {transform_indices = #map}, {transform_indices = #map}]} {
    %mul3A = arith.constant 2 : i32
    %mul3A_0 = arith.muli %arg1, %mul3A : i32
    %add3A = arith.addi %mul3A_0, %arg0 : i32
    %mul3A_1 = arith.constant 288 : i32
    %mul3A_2 = arith.muli %add3A, %mul3A_1 : i32
    "tpu.region"() ({
      %run_scoped3A = tpu.sem_alloc : memref<!tpu.dma_semaphore, #tpu.memory_space<semaphore_mem>>
      %dma_start3A_312 = tpu.memref_slice %arg3[%mul3A_2] : memref<9216xi32, #tpu.memory_space<hbm>> -> memref<288xi32, #tpu.memory_space<hbm>>
      %dma_start3A_313 = tpu.memref_slice %arg3[%mul3A_2] : memref<9216xi32, #tpu.memory_space<hbm>> -> memref<288xi32, #tpu.memory_space<hbm>>
      tpu.enqueue_dma source(%dma_start3A_313 : memref<288xi32, #tpu.memory_space<hbm>>) target(%arg6 : memref<288xi32, #tpu.memory_space<vmem>>) target_semaphore(%run_scoped3A : memref<!tpu.dma_semaphore, #tpu.memory_space<semaphore_mem>>)
      %dma_wait3A_314 = tpu.memref_slice %arg3[%mul3A_2] : memref<9216xi32, #tpu.memory_space<hbm>> -> memref<288xi32, #tpu.memory_space<hbm>>
      %dma_wait3A_315 = tpu.memref_slice %arg3[%mul3A_2] : memref<9216xi32, #tpu.memory_space<hbm>> -> memref<288xi32, #tpu.memory_space<hbm>>
      tpu.wait_dma2 semaphore(%run_scoped3A : memref<!tpu.dma_semaphore, #tpu.memory_space<semaphore_mem>>) src(%dma_wait3A_315 : memref<288xi32, #tpu.memory_space<hbm>>) dst(%arg6 : memref<288xi32, #tpu.memory_space<vmem>>)
      tpu.yield
    }) : () -> ()
    %broadcast_in_dim3A = arith.constant 0.000000e+00 : f32
    %broadcast_in_dim3A_3 = vector.broadcast %broadcast_in_dim3A : f32 to vector<16xf32>
    %swap3A = arith.constant 0 : index
    %swap3A_4 = tpu.vector_load %arg8[%swap3A] {strides = array<i32>} : memref<512xf32, #tpu.memory_space<vmem>>, vector<16xf32>,
    %swap3A_5 = vector.shape_cast %swap3A_4 : vector<16xf32> to vector<16xf32>
    %swap3A_6 = vector.shape_cast %broadcast_in_dim3A_3 : vector<16xf32> to vector<16xf32>
    tpu.vector_store %arg8[%swap3A], %swap3A_6 {strides = array<i32>} : memref<512xf32, #tpu.memory_space<vmem>>, vector<16xf32>,
    %broadcast_in_dim3A_7 = arith.constant 0.000000e+00 : f32
    %broadcast_in_dim3A_8 = vector.broadcast %broadcast_in_dim3A_7 : f32 to vector<16xf32>
    %swap3A_9 = arith.constant 16 : index
    %swap3A_10 = tpu.vector_load %arg8[%swap3A_9] {strides = array<i32>} : memref<512xf32, #tpu.memory_space<vmem>>, vector<16xf32>,
    %swap3A_11 = vector.shape_cast %swap3A_10 : vector<16xf32> to vector<16xf32>
    %swap3A_12 = vector.shape_cast %broadcast_in_dim3A_8 : vector<16xf32> to vector<16xf32>
    tpu.vector_store %arg8[%swap3A_9], %swap3A_12 {strides = array<i32>} : memref<512xf32, #tpu.memory_space<vmem>>, vector<16xf32>,
    %broadcast_in_dim3A_13 = arith.constant 0.000000e+00 : f32
    %broadcast_in_dim3A_14 = vector.broadcast %broadcast_in_dim3A_13 : f32 to vector<16xf32>
    %swap3A_15 = arith.constant 32 : index
    %swap3A_16 = tpu.vector_load %arg8[%swap3A_15] {strides = array<i32>} : memref<512xf32, #tpu.memory_space<vmem>>, vector<16xf32>,
    %swap3A_17 = vector.shape_cast %swap3A_16 : vector<16xf32> to vector<16xf32>
    %swap3A_18 = vector.shape_cast %broadcast_in_dim3A_14 : vector<16xf32> to vector<16xf32>
    tpu.vector_store %arg8[%swap3A_15], %swap3A_18 {strides = array<i32>} : memref<512xf32, #tpu.memory_space<vmem>>, vector<16xf32>,
    %broadcast_in_dim3A_19 = arith.constant 0.000000e+00 : f32
    %broadcast_in_dim3A_20 = vector.broadcast %broadcast_in_dim3A_19 : f32 to vector<16xf32>
    %swap3A_21 = arith.constant 48 : index
    %swap3A_22 = tpu.vector_load %arg8[%swap3A_21] {strides = array<i32>} : memref<512xf32, #tpu.memory_space<vmem>>, vector<16xf32>,
    %swap3A_23 = vector.shape_cast %swap3A_22 : vector<16xf32> to vector<16xf32>
    %swap3A_24 = vector.shape_cast %broadcast_in_dim3A_20 : vector<16xf32> to vector<16xf32>
    tpu.vector_store %arg8[%swap3A_21], %swap3A_24 {strides = array<i32>} : memref<512xf32, #tpu.memory_space<vmem>>, vector<16xf32>,
    %broadcast_in_dim3A_25 = arith.constant 0.000000e+00 : f32
    %broadcast_in_dim3A_26 = vector.broadcast %broadcast_in_dim3A_25 : f32 to vector<16xf32>
    %swap3A_27 = arith.constant 64 : index
    %swap3A_28 = tpu.vector_load %arg8[%swap3A_27] {strides = array<i32>} : memref<512xf32, #tpu.memory_space<vmem>>, vector<16xf32>,
    %swap3A_29 = vector.shape_cast %swap3A_28 : vector<16xf32> to vector<16xf32>
    %swap3A_30 = vector.shape_cast %broadcast_in_dim3A_26 : vector<16xf32> to vector<16xf32>
    tpu.vector_store %arg8[%swap3A_27], %swap3A_30 {strides = array<i32>} : memref<512xf32, #tpu.memory_space<vmem>>, vector<16xf32>,
    %broadcast_in_dim3A_31 = arith.constant 0.000000e+00 : f32
    %broadcast_in_dim3A_32 = vector.broadcast %broadcast_in_dim3A_31 : f32 to vector<16xf32>
    %swap3A_33 = arith.constant 80 : index
    %swap3A_34 = tpu.vector_load %arg8[%swap3A_33] {strides = array<i32>} : memref<512xf32, #tpu.memory_space<vmem>>, vector<16xf32>,
    %swap3A_35 = vector.shape_cast %swap3A_34 : vector<16xf32> to vector<16xf32>
    %swap3A_36 = vector.shape_cast %broadcast_in_dim3A_32 : vector<16xf32> to vector<16xf32>
    tpu.vector_store %arg8[%swap3A_33], %swap3A_36 {strides = array<i32>} : memref<512xf32, #tpu.memory_space<vmem>>, vector<16xf32>,
    %broadcast_in_dim3A_37 = arith.constant 0.000000e+00 : f32
    %broadcast_in_dim3A_38 = vector.broadcast %broadcast_in_dim3A_37 : f32 to vector<16xf32>
    %swap3A_39 = arith.constant 96 : index
    %swap3A_40 = tpu.vector_load %arg8[%swap3A_39] {strides = array<i32>} : memref<512xf32, #tpu.memory_space<vmem>>, vector<16xf32>,
    %swap3A_41 = vector.shape_cast %swap3A_40 : vector<16xf32> to vector<16xf32>
    %swap3A_42 = vector.shape_cast %broadcast_in_dim3A_38 : vector<16xf32> to vector<16xf32>
    tpu.vector_store %arg8[%swap3A_39], %swap3A_42 {strides = array<i32>} : memref<512xf32, #tpu.memory_space<vmem>>, vector<16xf32>,
    %broadcast_in_dim3A_43 = arith.constant 0.000000e+00 : f32
    %broadcast_in_dim3A_44 = vector.broadcast %broadcast_in_dim3A_43 : f32 to vector<16xf32>
    %swap3A_45 = arith.constant 112 : index
    %swap3A_46 = tpu.vector_load %arg8[%swap3A_45] {strides = array<i32>} : memref<512xf32, #tpu.memory_space<vmem>>, vector<16xf32>,
    %swap3A_47 = vector.shape_cast %swap3A_46 : vector<16xf32> to vector<16xf32>
    %swap3A_48 = vector.shape_cast %broadcast_in_dim3A_44 : vector<16xf32> to vector<16xf32>
    tpu.vector_store %arg8[%swap3A_45], %swap3A_48 {strides = array<i32>} : memref<512xf32, #tpu.memory_space<vmem>>, vector<16xf32>,
    %broadcast_in_dim3A_49 = arith.constant 0.000000e+00 : f32
    %broadcast_in_dim3A_50 = vector.broadcast %broadcast_in_dim3A_49 : f32 to vector<16xf32>
    %swap3A_51 = arith.constant 128 : index
    %swap3A_52 = tpu.vector_load %arg8[%swap3A_51] {strides = array<i32>} : memref<512xf32, #tpu.memory_space<vmem>>, vector<16xf32>,
    %swap3A_53 = vector.shape_cast %swap3A_52 : vector<16xf32> to vector<16xf32>
    %swap3A_54 = vector.shape_cast %broadcast_in_dim3A_50 : vector<16xf32> to vector<16xf32>
    tpu.vector_store %arg8[%swap3A_51], %swap3A_54 {strides = array<i32>} : memref<512xf32, #tpu.memory_space<vmem>>, vector<16xf32>,
    %broadcast_in_dim3A_55 = arith.constant 0.000000e+00 : f32
    %broadcast_in_dim3A_56 = vector.broadcast %broadcast_in_dim3A_55 : f32 to vector<16xf32>
    %swap3A_57 = arith.constant 144 : index
    %swap3A_58 = tpu.vector_load %arg8[%swap3A_57] {strides = array<i32>} : memref<512xf32, #tpu.memory_space<vmem>>, vector<16xf32>,
    %swap3A_59 = vector.shape_cast %swap3A_58 : vector<16xf32> to vector<16xf32>
    %swap3A_60 = vector.shape_cast %broadcast_in_dim3A_56 : vector<16xf32> to vector<16xf32>
    tpu.vector_store %arg8[%swap3A_57], %swap3A_60 {strides = array<i32>} : memref<512xf32, #tpu.memory_space<vmem>>, vector<16xf32>,
    %broadcast_in_dim3A_61 = arith.constant 0.000000e+00 : f32
    %broadcast_in_dim3A_62 = vector.broadcast %broadcast_in_dim3A_61 : f32 to vector<16xf32>
    %swap3A_63 = arith.constant 160 : index
    %swap3A_64 = tpu.vector_load %arg8[%swap3A_63] {strides = array<i32>} : memref<512xf32, #tpu.memory_space<vmem>>, vector<16xf32>,
    %swap3A_65 = vector.shape_cast %swap3A_64 : vector<16xf32> to vector<16xf32>
    %swap3A_66 = vector.shape_cast %broadcast_in_dim3A_62 : vector<16xf32> to vector<16xf32>
    tpu.vector_store %arg8[%swap3A_63], %swap3A_66 {strides = array<i32>} : memref<512xf32, #tpu.memory_space<vmem>>, vector<16xf32>,
    %broadcast_in_dim3A_67 = arith.constant 0.000000e+00 : f32
    %broadcast_in_dim3A_68 = vector.broadcast %broadcast_in_dim3A_67 : f32 to vector<16xf32>
    %swap3A_69 = arith.constant 176 : index
    %swap3A_70 = tpu.vector_load %arg8[%swap3A_69] {strides = array<i32>} : memref<512xf32, #tpu.memory_space<vmem>>, vector<16xf32>,
    %swap3A_71 = vector.shape_cast %swap3A_70 : vector<16xf32> to vector<16xf32>
    %swap3A_72 = vector.shape_cast %broadcast_in_dim3A_68 : vector<16xf32> to vector<16xf32>
    tpu.vector_store %arg8[%swap3A_69], %swap3A_72 {strides = array<i32>} : memref<512xf32, #tpu.memory_space<vmem>>, vector<16xf32>,
    %broadcast_in_dim3A_73 = arith.constant 0.000000e+00 : f32
    %broadcast_in_dim3A_74 = vector.broadcast %broadcast_in_dim3A_73 : f32 to vector<16xf32>
    %swap3A_75 = arith.constant 192 : index
    %swap3A_76 = tpu.vector_load %arg8[%swap3A_75] {strides = array<i32>} : memref<512xf32, #tpu.memory_space<vmem>>, vector<16xf32>,
    %swap3A_77 = vector.shape_cast %swap3A_76 : vector<16xf32> to vector<16xf32>
    %swap3A_78 = vector.shape_cast %broadcast_in_dim3A_74 : vector<16xf32> to vector<16xf32>
    tpu.vector_store %arg8[%swap3A_75], %swap3A_78 {strides = array<i32>} : memref<512xf32, #tpu.memory_space<vmem>>, vector<16xf32>,
    %broadcast_in_dim3A_79 = arith.constant 0.000000e+00 : f32
    %broadcast_in_dim3A_80 = vector.broadcast %broadcast_in_dim3A_79 : f32 to vector<16xf32>
    %swap3A_81 = arith.constant 208 : index
    %swap3A_82 = tpu.vector_load %arg8[%swap3A_81] {strides = array<i32>} : memref<512xf32, #tpu.memory_space<vmem>>, vector<16xf32>,
    %swap3A_83 = vector.shape_cast %swap3A_82 : vector<16xf32> to vector<16xf32>
    %swap3A_84 = vector.shape_cast %broadcast_in_dim3A_80 : vector<16xf32> to vector<16xf32>
    tpu.vector_store %arg8[%swap3A_81], %swap3A_84 {strides = array<i32>} : memref<512xf32, #tpu.memory_space<vmem>>, vector<16xf32>,
    %broadcast_in_dim3A_85 = arith.constant 0.000000e+00 : f32
    %broadcast_in_dim3A_86 = vector.broadcast %broadcast_in_dim3A_85 : f32 to vector<16xf32>
    %swap3A_87 = arith.constant 224 : index
    %swap3A_88 = tpu.vector_load %arg8[%swap3A_87] {strides = array<i32>} : memref<512xf32, #tpu.memory_space<vmem>>, vector<16xf32>,
    %swap3A_89 = vector.shape_cast %swap3A_88 : vector<16xf32> to vector<16xf32>
    %swap3A_90 = vector.shape_cast %broadcast_in_dim3A_86 : vector<16xf32> to vector<16xf32>
    tpu.vector_store %arg8[%swap3A_87], %swap3A_90 {strides = array<i32>} : memref<512xf32, #tpu.memory_space<vmem>>, vector<16xf32>,
    %broadcast_in_dim3A_91 = arith.constant 0.000000e+00 : f32
    %broadcast_in_dim3A_92 = vector.broadcast %broadcast_in_dim3A_91 : f32 to vector<16xf32>
    %swap3A_93 = arith.constant 240 : index
    %swap3A_94 = tpu.vector_load %arg8[%swap3A_93] {strides = array<i32>} : memref<512xf32, #tpu.memory_space<vmem>>, vector<16xf32>,
    %swap3A_95 = vector.shape_cast %swap3A_94 : vector<16xf32> to vector<16xf32>
    %swap3A_96 = vector.shape_cast %broadcast_in_dim3A_92 : vector<16xf32> to vector<16xf32>
    tpu.vector_store %arg8[%swap3A_93], %swap3A_96 {strides = array<i32>} : memref<512xf32, #tpu.memory_space<vmem>>, vector<16xf32>,
    %broadcast_in_dim3A_97 = arith.constant 0.000000e+00 : f32
    %broadcast_in_dim3A_98 = vector.broadcast %broadcast_in_dim3A_97 : f32 to vector<16xf32>
    %swap3A_99 = arith.constant 256 : index
    %swap3A_100 = tpu.vector_load %arg8[%swap3A_99] {strides = array<i32>} : memref<512xf32, #tpu.memory_space<vmem>>, vector<16xf32>,
    %swap3A_101 = vector.shape_cast %swap3A_100 : vector<16xf32> to vector<16xf32>
    %swap3A_102 = vector.shape_cast %broadcast_in_dim3A_98 : vector<16xf32> to vector<16xf32>
    tpu.vector_store %arg8[%swap3A_99], %swap3A_102 {strides = array<i32>} : memref<512xf32, #tpu.memory_space<vmem>>, vector<16xf32>,
    %broadcast_in_dim3A_103 = arith.constant 0.000000e+00 : f32
    %broadcast_in_dim3A_104 = vector.broadcast %broadcast_in_dim3A_103 : f32 to vector<16xf32>
    %swap3A_105 = arith.constant 272 : index
    %swap3A_106 = tpu.vector_load %arg8[%swap3A_105] {strides = array<i32>} : memref<512xf32, #tpu.memory_space<vmem>>, vector<16xf32>,
    %swap3A_107 = vector.shape_cast %swap3A_106 : vector<16xf32> to vector<16xf32>
    %swap3A_108 = vector.shape_cast %broadcast_in_dim3A_104 : vector<16xf32> to vector<16xf32>
    tpu.vector_store %arg8[%swap3A_105], %swap3A_108 {strides = array<i32>} : memref<512xf32, #tpu.memory_space<vmem>>, vector<16xf32>,
    %broadcast_in_dim3A_109 = arith.constant 0.000000e+00 : f32
    %broadcast_in_dim3A_110 = vector.broadcast %broadcast_in_dim3A_109 : f32 to vector<16xf32>
    %swap3A_111 = arith.constant 288 : index
    %swap3A_112 = tpu.vector_load %arg8[%swap3A_111] {strides = array<i32>} : memref<512xf32, #tpu.memory_space<vmem>>, vector<16xf32>,
    %swap3A_113 = vector.shape_cast %swap3A_112 : vector<16xf32> to vector<16xf32>
    %swap3A_114 = vector.shape_cast %broadcast_in_dim3A_110 : vector<16xf32> to vector<16xf32>
    tpu.vector_store %arg8[%swap3A_111], %swap3A_114 {strides = array<i32>} : memref<512xf32, #tpu.memory_space<vmem>>, vector<16xf32>,
    %broadcast_in_dim3A_115 = arith.constant 0.000000e+00 : f32
    %broadcast_in_dim3A_116 = vector.broadcast %broadcast_in_dim3A_115 : f32 to vector<16xf32>
    %swap3A_117 = arith.constant 304 : index
    %swap3A_118 = tpu.vector_load %arg8[%swap3A_117] {strides = array<i32>} : memref<512xf32, #tpu.memory_space<vmem>>, vector<16xf32>,
    %swap3A_119 = vector.shape_cast %swap3A_118 : vector<16xf32> to vector<16xf32>
    %swap3A_120 = vector.shape_cast %broadcast_in_dim3A_116 : vector<16xf32> to vector<16xf32>
    tpu.vector_store %arg8[%swap3A_117], %swap3A_120 {strides = array<i32>} : memref<512xf32, #tpu.memory_space<vmem>>, vector<16xf32>,
    %broadcast_in_dim3A_121 = arith.constant 0.000000e+00 : f32
    %broadcast_in_dim3A_122 = vector.broadcast %broadcast_in_dim3A_121 : f32 to vector<16xf32>
    %swap3A_123 = arith.constant 320 : index
    %swap3A_124 = tpu.vector_load %arg8[%swap3A_123] {strides = array<i32>} : memref<512xf32, #tpu.memory_space<vmem>>, vector<16xf32>,
    %swap3A_125 = vector.shape_cast %swap3A_124 : vector<16xf32> to vector<16xf32>
    %swap3A_126 = vector.shape_cast %broadcast_in_dim3A_122 : vector<16xf32> to vector<16xf32>
    tpu.vector_store %arg8[%swap3A_123], %swap3A_126 {strides = array<i32>} : memref<512xf32, #tpu.memory_space<vmem>>, vector<16xf32>,
    %broadcast_in_dim3A_127 = arith.constant 0.000000e+00 : f32
    %broadcast_in_dim3A_128 = vector.broadcast %broadcast_in_dim3A_127 : f32 to vector<16xf32>
    %swap3A_129 = arith.constant 336 : index
    %swap3A_130 = tpu.vector_load %arg8[%swap3A_129] {strides = array<i32>} : memref<512xf32, #tpu.memory_space<vmem>>, vector<16xf32>,
    %swap3A_131 = vector.shape_cast %swap3A_130 : vector<16xf32> to vector<16xf32>
    %swap3A_132 = vector.shape_cast %broadcast_in_dim3A_128 : vector<16xf32> to vector<16xf32>
    tpu.vector_store %arg8[%swap3A_129], %swap3A_132 {strides = array<i32>} : memref<512xf32, #tpu.memory_space<vmem>>, vector<16xf32>,
    %broadcast_in_dim3A_133 = arith.constant 0.000000e+00 : f32
    %broadcast_in_dim3A_134 = vector.broadcast %broadcast_in_dim3A_133 : f32 to vector<16xf32>
    %swap3A_135 = arith.constant 352 : index
    %swap3A_136 = tpu.vector_load %arg8[%swap3A_135] {strides = array<i32>} : memref<512xf32, #tpu.memory_space<vmem>>, vector<16xf32>,
    %swap3A_137 = vector.shape_cast %swap3A_136 : vector<16xf32> to vector<16xf32>
    %swap3A_138 = vector.shape_cast %broadcast_in_dim3A_134 : vector<16xf32> to vector<16xf32>
    tpu.vector_store %arg8[%swap3A_135], %swap3A_138 {strides = array<i32>} : memref<512xf32, #tpu.memory_space<vmem>>, vector<16xf32>,
    %broadcast_in_dim3A_139 = arith.constant 0.000000e+00 : f32
    %broadcast_in_dim3A_140 = vector.broadcast %broadcast_in_dim3A_139 : f32 to vector<16xf32>
    %swap3A_141 = arith.constant 368 : index
    %swap3A_142 = tpu.vector_load %arg8[%swap3A_141] {strides = array<i32>} : memref<512xf32, #tpu.memory_space<vmem>>, vector<16xf32>,
    %swap3A_143 = vector.shape_cast %swap3A_142 : vector<16xf32> to vector<16xf32>
    %swap3A_144 = vector.shape_cast %broadcast_in_dim3A_140 : vector<16xf32> to vector<16xf32>
    tpu.vector_store %arg8[%swap3A_141], %swap3A_144 {strides = array<i32>} : memref<512xf32, #tpu.memory_space<vmem>>, vector<16xf32>,
    %broadcast_in_dim3A_145 = arith.constant 0.000000e+00 : f32
    %broadcast_in_dim3A_146 = vector.broadcast %broadcast_in_dim3A_145 : f32 to vector<16xf32>
    %swap3A_147 = arith.constant 384 : index
    %swap3A_148 = tpu.vector_load %arg8[%swap3A_147] {strides = array<i32>} : memref<512xf32, #tpu.memory_space<vmem>>, vector<16xf32>,
    %swap3A_149 = vector.shape_cast %swap3A_148 : vector<16xf32> to vector<16xf32>
    %swap3A_150 = vector.shape_cast %broadcast_in_dim3A_146 : vector<16xf32> to vector<16xf32>
    tpu.vector_store %arg8[%swap3A_147], %swap3A_150 {strides = array<i32>} : memref<512xf32, #tpu.memory_space<vmem>>, vector<16xf32>,
    %broadcast_in_dim3A_151 = arith.constant 0.000000e+00 : f32
    %broadcast_in_dim3A_152 = vector.broadcast %broadcast_in_dim3A_151 : f32 to vector<16xf32>
    %swap3A_153 = arith.constant 400 : index
    %swap3A_154 = tpu.vector_load %arg8[%swap3A_153] {strides = array<i32>} : memref<512xf32, #tpu.memory_space<vmem>>, vector<16xf32>,
    %swap3A_155 = vector.shape_cast %swap3A_154 : vector<16xf32> to vector<16xf32>
    %swap3A_156 = vector.shape_cast %broadcast_in_dim3A_152 : vector<16xf32> to vector<16xf32>
    tpu.vector_store %arg8[%swap3A_153], %swap3A_156 {strides = array<i32>} : memref<512xf32, #tpu.memory_space<vmem>>, vector<16xf32>,
    %broadcast_in_dim3A_157 = arith.constant 0.000000e+00 : f32
    %broadcast_in_dim3A_158 = vector.broadcast %broadcast_in_dim3A_157 : f32 to vector<16xf32>
    %swap3A_159 = arith.constant 416 : index
    %swap3A_160 = tpu.vector_load %arg8[%swap3A_159] {strides = array<i32>} : memref<512xf32, #tpu.memory_space<vmem>>, vector<16xf32>,
    %swap3A_161 = vector.shape_cast %swap3A_160 : vector<16xf32> to vector<16xf32>
    %swap3A_162 = vector.shape_cast %broadcast_in_dim3A_158 : vector<16xf32> to vector<16xf32>
    tpu.vector_store %arg8[%swap3A_159], %swap3A_162 {strides = array<i32>} : memref<512xf32, #tpu.memory_space<vmem>>, vector<16xf32>,
    %broadcast_in_dim3A_163 = arith.constant 0.000000e+00 : f32
    %broadcast_in_dim3A_164 = vector.broadcast %broadcast_in_dim3A_163 : f32 to vector<16xf32>
    %swap3A_165 = arith.constant 432 : index
    %swap3A_166 = tpu.vector_load %arg8[%swap3A_165] {strides = array<i32>} : memref<512xf32, #tpu.memory_space<vmem>>, vector<16xf32>,
    %swap3A_167 = vector.shape_cast %swap3A_166 : vector<16xf32> to vector<16xf32>
    %swap3A_168 = vector.shape_cast %broadcast_in_dim3A_164 : vector<16xf32> to vector<16xf32>
    tpu.vector_store %arg8[%swap3A_165], %swap3A_168 {strides = array<i32>} : memref<512xf32, #tpu.memory_space<vmem>>, vector<16xf32>,
    %broadcast_in_dim3A_169 = arith.constant 0.000000e+00 : f32
    %broadcast_in_dim3A_170 = vector.broadcast %broadcast_in_dim3A_169 : f32 to vector<16xf32>
    %swap3A_171 = arith.constant 448 : index
    %swap3A_172 = tpu.vector_load %arg8[%swap3A_171] {strides = array<i32>} : memref<512xf32, #tpu.memory_space<vmem>>, vector<16xf32>,
    %swap3A_173 = vector.shape_cast %swap3A_172 : vector<16xf32> to vector<16xf32>
    %swap3A_174 = vector.shape_cast %broadcast_in_dim3A_170 : vector<16xf32> to vector<16xf32>
    tpu.vector_store %arg8[%swap3A_171], %swap3A_174 {strides = array<i32>} : memref<512xf32, #tpu.memory_space<vmem>>, vector<16xf32>,
    %broadcast_in_dim3A_175 = arith.constant 0.000000e+00 : f32
    %broadcast_in_dim3A_176 = vector.broadcast %broadcast_in_dim3A_175 : f32 to vector<16xf32>
    %swap3A_177 = arith.constant 464 : index
    %swap3A_178 = tpu.vector_load %arg8[%swap3A_177] {strides = array<i32>} : memref<512xf32, #tpu.memory_space<vmem>>, vector<16xf32>,
    %swap3A_179 = vector.shape_cast %swap3A_178 : vector<16xf32> to vector<16xf32>
    %swap3A_180 = vector.shape_cast %broadcast_in_dim3A_176 : vector<16xf32> to vector<16xf32>
    tpu.vector_store %arg8[%swap3A_177], %swap3A_180 {strides = array<i32>} : memref<512xf32, #tpu.memory_space<vmem>>, vector<16xf32>,
    %broadcast_in_dim3A_181 = arith.constant 0.000000e+00 : f32
    %broadcast_in_dim3A_182 = vector.broadcast %broadcast_in_dim3A_181 : f32 to vector<16xf32>
    %swap3A_183 = arith.constant 480 : index
    %swap3A_184 = tpu.vector_load %arg8[%swap3A_183] {strides = array<i32>} : memref<512xf32, #tpu.memory_space<vmem>>, vector<16xf32>,
    %swap3A_185 = vector.shape_cast %swap3A_184 : vector<16xf32> to vector<16xf32>
    %swap3A_186 = vector.shape_cast %broadcast_in_dim3A_182 : vector<16xf32> to vector<16xf32>
    tpu.vector_store %arg8[%swap3A_183], %swap3A_186 {strides = array<i32>} : memref<512xf32, #tpu.memory_space<vmem>>, vector<16xf32>,
    %broadcast_in_dim3A_187 = arith.constant 0.000000e+00 : f32
    %broadcast_in_dim3A_188 = vector.broadcast %broadcast_in_dim3A_187 : f32 to vector<16xf32>
    %swap3A_189 = arith.constant 496 : index
    %swap3A_190 = tpu.vector_load %arg8[%swap3A_189] {strides = array<i32>} : memref<512xf32, #tpu.memory_space<vmem>>, vector<16xf32>,
    %swap3A_191 = vector.shape_cast %swap3A_190 : vector<16xf32> to vector<16xf32>
    %swap3A_192 = vector.shape_cast %broadcast_in_dim3A_188 : vector<16xf32> to vector<16xf32>
    tpu.vector_store %arg8[%swap3A_189], %swap3A_192 {strides = array<i32>} : memref<512xf32, #tpu.memory_space<vmem>>, vector<16xf32>,
    %mul3A_193 = arith.constant 512 : i32
    %mul3A_194 = arith.muli %arg1, %mul3A_193 : i32
    "tpu.region"() ({
      %run_scoped3A = tpu.sem_alloc : memref<!tpu.dma_semaphore, #tpu.memory_space<semaphore_mem>>
      %dma_start3A_312 = tpu.memref_slice %arg9[%mul3A_194] : memref<8192xf32, #tpu.memory_space<vmem_shared>> -> memref<512xf32, #tpu.memory_space<vmem_shared>>
      %dma_start3A_313 = tpu.memref_slice %arg9[%mul3A_194] : memref<8192xf32, #tpu.memory_space<vmem_shared>> -> memref<512xf32, #tpu.memory_space<vmem_shared>>
      tpu.enqueue_dma source(%arg8 : memref<512xf32, #tpu.memory_space<vmem>>) target(%dma_start3A_313 : memref<512xf32, #tpu.memory_space<vmem_shared>>) target_semaphore(%run_scoped3A : memref<!tpu.dma_semaphore, #tpu.memory_space<semaphore_mem>>)
      %dma_wait3A_314 = tpu.memref_slice %arg9[%mul3A_194] : memref<8192xf32, #tpu.memory_space<vmem_shared>> -> memref<512xf32, #tpu.memory_space<vmem_shared>>
      %dma_wait3A_315 = tpu.memref_slice %arg9[%mul3A_194] : memref<8192xf32, #tpu.memory_space<vmem_shared>> -> memref<512xf32, #tpu.memory_space<vmem_shared>>
      tpu.wait_dma2 semaphore(%run_scoped3A : memref<!tpu.dma_semaphore, #tpu.memory_space<semaphore_mem>>) src(%arg8 : memref<512xf32, #tpu.memory_space<vmem>>) dst(%dma_wait3A_315 : memref<512xf32, #tpu.memory_space<vmem_shared>>)
      tpu.yield
    }) : () -> ()
    %dma_start3A = arith.constant 0 : i32
    %dma_start3A_195 = arith.constant 0 : i32
    %dma_start3A_196 = tpu.memref_slice %arg2[%dma_start3A, %dma_start3A_195] : memref<8192x256xf32, #tpu.memory_space<hbm>> -> memref<8192x256xf32, #tpu.memory_space<hbm>>
    tpu.enqueue_indirect_dma source(%dma_start3A_196 : memref<8192x256xf32, #tpu.memory_space<hbm>>) target(%arg7 : memref<288x256xf32, #tpu.memory_space<vmem>>) offsets(%arg6 : memref<288xi32, #tpu.memory_space<vmem>>) semaphore(%arg10 : memref<!tpu.dma_semaphore, #tpu.memory_space<semaphore_mem>>)
    %barrier3A = arith.constant 0 : index
    tpu.barrier barrier_id(%barrier3A)
    %broadcast_in_dim3A_197 = arith.constant 1.000000e+00 : f32
    %broadcast_in_dim3A_198 = vector.broadcast %broadcast_in_dim3A_197 : f32 to vector<16xf32>
    %swap3A_199 = arith.constant 0 : index
    %swap3A_200 = tpu.vector_load %arg8[%swap3A_199] {strides = array<i32>} : memref<512xf32, #tpu.memory_space<vmem>>, vector<16xf32>,
    %swap3A_201 = vector.shape_cast %swap3A_200 : vector<16xf32> to vector<16xf32>
    %swap3A_202 = vector.shape_cast %broadcast_in_dim3A_198 : vector<16xf32> to vector<16xf32>
    tpu.vector_store %arg8[%swap3A_199], %swap3A_202 {strides = array<i32>} : memref<512xf32, #tpu.memory_space<vmem>>, vector<16xf32>,
    %broadcast_in_dim3A_203 = arith.constant 1.000000e+00 : f32
    %broadcast_in_dim3A_204 = vector.broadcast %broadcast_in_dim3A_203 : f32 to vector<16xf32>
    %swap3A_205 = arith.constant 16 : index
    %swap3A_206 = tpu.vector_load %arg8[%swap3A_205] {strides = array<i32>} : memref<512xf32, #tpu.memory_space<vmem>>, vector<16xf32>,
    %swap3A_207 = vector.shape_cast %swap3A_206 : vector<16xf32> to vector<16xf32>
    %swap3A_208 = vector.shape_cast %broadcast_in_dim3A_204 : vector<16xf32> to vector<16xf32>
    tpu.vector_store %arg8[%swap3A_205], %swap3A_208 {strides = array<i32>} : memref<512xf32, #tpu.memory_space<vmem>>, vector<16xf32>,
    %broadcast_in_dim3A_209 = arith.constant 1.000000e+00 : f32
    %broadcast_in_dim3A_210 = vector.broadcast %broadcast_in_dim3A_209 : f32 to vector<16xf32>
    %swap3A_211 = arith.constant 32 : index
    %swap3A_212 = tpu.vector_load %arg8[%swap3A_211] {strides = array<i32>} : memref<512xf32, #tpu.memory_space<vmem>>, vector<16xf32>,
    %swap3A_213 = vector.shape_cast %swap3A_212 : vector<16xf32> to vector<16xf32>
    %swap3A_214 = vector.shape_cast %broadcast_in_dim3A_210 : vector<16xf32> to vector<16xf32>
    tpu.vector_store %arg8[%swap3A_211], %swap3A_214 {strides = array<i32>} : memref<512xf32, #tpu.memory_space<vmem>>, vector<16xf32>,
    %broadcast_in_dim3A_215 = arith.constant 1.000000e+00 : f32
    %broadcast_in_dim3A_216 = vector.broadcast %broadcast_in_dim3A_215 : f32 to vector<16xf32>
    %swap3A_217 = arith.constant 48 : index
    %swap3A_218 = tpu.vector_load %arg8[%swap3A_217] {strides = array<i32>} : memref<512xf32, #tpu.memory_space<vmem>>, vector<16xf32>,
    %swap3A_219 = vector.shape_cast %swap3A_218 : vector<16xf32> to vector<16xf32>
    %swap3A_220 = vector.shape_cast %broadcast_in_dim3A_216 : vector<16xf32> to vector<16xf32>
    tpu.vector_store %arg8[%swap3A_217], %swap3A_220 {strides = array<i32>} : memref<512xf32, #tpu.memory_space<vmem>>, vector<16xf32>,
    %broadcast_in_dim3A_221 = arith.constant 1.000000e+00 : f32
    %broadcast_in_dim3A_222 = vector.broadcast %broadcast_in_dim3A_221 : f32 to vector<16xf32>
    %swap3A_223 = arith.constant 64 : index
    %swap3A_224 = tpu.vector_load %arg8[%swap3A_223] {strides = array<i32>} : memref<512xf32, #tpu.memory_space<vmem>>, vector<16xf32>,
    %swap3A_225 = vector.shape_cast %swap3A_224 : vector<16xf32> to vector<16xf32>
    %swap3A_226 = vector.shape_cast %broadcast_in_dim3A_222 : vector<16xf32> to vector<16xf32>
    tpu.vector_store %arg8[%swap3A_223], %swap3A_226 {strides = array<i32>} : memref<512xf32, #tpu.memory_space<vmem>>, vector<16xf32>,
    %broadcast_in_dim3A_227 = arith.constant 1.000000e+00 : f32
    %broadcast_in_dim3A_228 = vector.broadcast %broadcast_in_dim3A_227 : f32 to vector<16xf32>
    %swap3A_229 = arith.constant 80 : index
    %swap3A_230 = tpu.vector_load %arg8[%swap3A_229] {strides = array<i32>} : memref<512xf32, #tpu.memory_space<vmem>>, vector<16xf32>,
    %swap3A_231 = vector.shape_cast %swap3A_230 : vector<16xf32> to vector<16xf32>
    %swap3A_232 = vector.shape_cast %broadcast_in_dim3A_228 : vector<16xf32> to vector<16xf32>
    tpu.vector_store %arg8[%swap3A_229], %swap3A_232 {strides = array<i32>} : memref<512xf32, #tpu.memory_space<vmem>>, vector<16xf32>,
    %broadcast_in_dim3A_233 = arith.constant 1.000000e+00 : f32
    %broadcast_in_dim3A_234 = vector.broadcast %broadcast_in_dim3A_233 : f32 to vector<16xf32>
    %swap3A_235 = arith.constant 96 : index
    %swap3A_236 = tpu.vector_load %arg8[%swap3A_235] {strides = array<i32>} : memref<512xf32, #tpu.memory_space<vmem>>, vector<16xf32>,
    %swap3A_237 = vector.shape_cast %swap3A_236 : vector<16xf32> to vector<16xf32>
    %swap3A_238 = vector.shape_cast %broadcast_in_dim3A_234 : vector<16xf32> to vector<16xf32>
    tpu.vector_store %arg8[%swap3A_235], %swap3A_238 {strides = array<i32>} : memref<512xf32, #tpu.memory_space<vmem>>, vector<16xf32>,
    %broadcast_in_dim3A_239 = arith.constant 1.000000e+00 : f32
    %broadcast_in_dim3A_240 = vector.broadcast %broadcast_in_dim3A_239 : f32 to vector<16xf32>
    %swap3A_241 = arith.constant 112 : index
    %swap3A_242 = tpu.vector_load %arg8[%swap3A_241] {strides = array<i32>} : memref<512xf32, #tpu.memory_space<vmem>>, vector<16xf32>,
    %swap3A_243 = vector.shape_cast %swap3A_242 : vector<16xf32> to vector<16xf32>
    %swap3A_244 = vector.shape_cast %broadcast_in_dim3A_240 : vector<16xf32> to vector<16xf32>
    tpu.vector_store %arg8[%swap3A_241], %swap3A_244 {strides = array<i32>} : memref<512xf32, #tpu.memory_space<vmem>>, vector<16xf32>,
    %broadcast_in_dim3A_245 = arith.constant 1.000000e+00 : f32
    %broadcast_in_dim3A_246 = vector.broadcast %broadcast_in_dim3A_245 : f32 to vector<16xf32>
    %swap3A_247 = arith.constant 128 : index
    %swap3A_248 = tpu.vector_load %arg8[%swap3A_247] {strides = array<i32>} : memref<512xf32, #tpu.memory_space<vmem>>, vector<16xf32>,
    %swap3A_249 = vector.shape_cast %swap3A_248 : vector<16xf32> to vector<16xf32>
    %swap3A_250 = vector.shape_cast %broadcast_in_dim3A_246 : vector<16xf32> to vector<16xf32>
    tpu.vector_store %arg8[%swap3A_247], %swap3A_250 {strides = array<i32>} : memref<512xf32, #tpu.memory_space<vmem>>, vector<16xf32>,
    %broadcast_in_dim3A_251 = arith.constant 1.000000e+00 : f32
    %broadcast_in_dim3A_252 = vector.broadcast %broadcast_in_dim3A_251 : f32 to vector<16xf32>
    %swap3A_253 = arith.constant 144 : index
    %swap3A_254 = tpu.vector_load %arg8[%swap3A_253] {strides = array<i32>} : memref<512xf32, #tpu.memory_space<vmem>>, vector<16xf32>,
    %swap3A_255 = vector.shape_cast %swap3A_254 : vector<16xf32> to vector<16xf32>
    %swap3A_256 = vector.shape_cast %broadcast_in_dim3A_252 : vector<16xf32> to vector<16xf32>
    tpu.vector_store %arg8[%swap3A_253], %swap3A_256 {strides = array<i32>} : memref<512xf32, #tpu.memory_space<vmem>>, vector<16xf32>,
    %broadcast_in_dim3A_257 = arith.constant 1.000000e+00 : f32
    %broadcast_in_dim3A_258 = vector.broadcast %broadcast_in_dim3A_257 : f32 to vector<16xf32>
    %swap3A_259 = arith.constant 160 : index
    %swap3A_260 = tpu.vector_load %arg8[%swap3A_259] {strides = array<i32>} : memref<512xf32, #tpu.memory_space<vmem>>, vector<16xf32>,
    %swap3A_261 = vector.shape_cast %swap3A_260 : vector<16xf32> to vector<16xf32>
    %swap3A_262 = vector.shape_cast %broadcast_in_dim3A_258 : vector<16xf32> to vector<16xf32>
    tpu.vector_store %arg8[%swap3A_259], %swap3A_262 {strides = array<i32>} : memref<512xf32, #tpu.memory_space<vmem>>, vector<16xf32>,
    %broadcast_in_dim3A_263 = arith.constant 1.000000e+00 : f32
    %broadcast_in_dim3A_264 = vector.broadcast %broadcast_in_dim3A_263 : f32 to vector<16xf32>
    %swap3A_265 = arith.constant 176 : index
    %swap3A_266 = tpu.vector_load %arg8[%swap3A_265] {strides = array<i32>} : memref<512xf32, #tpu.memory_space<vmem>>, vector<16xf32>,
    %swap3A_267 = vector.shape_cast %swap3A_266 : vector<16xf32> to vector<16xf32>
    %swap3A_268 = vector.shape_cast %broadcast_in_dim3A_264 : vector<16xf32> to vector<16xf32>
    tpu.vector_store %arg8[%swap3A_265], %swap3A_268 {strides = array<i32>} : memref<512xf32, #tpu.memory_space<vmem>>, vector<16xf32>,
    %broadcast_in_dim3A_269 = arith.constant 1.000000e+00 : f32
    %broadcast_in_dim3A_270 = vector.broadcast %broadcast_in_dim3A_269 : f32 to vector<16xf32>
    %swap3A_271 = arith.constant 192 : index
    %swap3A_272 = tpu.vector_load %arg8[%swap3A_271] {strides = array<i32>} : memref<512xf32, #tpu.memory_space<vmem>>, vector<16xf32>,
    %swap3A_273 = vector.shape_cast %swap3A_272 : vector<16xf32> to vector<16xf32>
    %swap3A_274 = vector.shape_cast %broadcast_in_dim3A_270 : vector<16xf32> to vector<16xf32>
    tpu.vector_store %arg8[%swap3A_271], %swap3A_274 {strides = array<i32>} : memref<512xf32, #tpu.memory_space<vmem>>, vector<16xf32>,
    %broadcast_in_dim3A_275 = arith.constant 1.000000e+00 : f32
    %broadcast_in_dim3A_276 = vector.broadcast %broadcast_in_dim3A_275 : f32 to vector<16xf32>
    %swap3A_277 = arith.constant 208 : index
    %swap3A_278 = tpu.vector_load %arg8[%swap3A_277] {strides = array<i32>} : memref<512xf32, #tpu.memory_space<vmem>>, vector<16xf32>,
    %swap3A_279 = vector.shape_cast %swap3A_278 : vector<16xf32> to vector<16xf32>
    %swap3A_280 = vector.shape_cast %broadcast_in_dim3A_276 : vector<16xf32> to vector<16xf32>
    tpu.vector_store %arg8[%swap3A_277], %swap3A_280 {strides = array<i32>} : memref<512xf32, #tpu.memory_space<vmem>>, vector<16xf32>,
    %broadcast_in_dim3A_281 = arith.constant 1.000000e+00 : f32
    %broadcast_in_dim3A_282 = vector.broadcast %broadcast_in_dim3A_281 : f32 to vector<16xf32>
    %swap3A_283 = arith.constant 224 : index
    %swap3A_284 = tpu.vector_load %arg8[%swap3A_283] {strides = array<i32>} : memref<512xf32, #tpu.memory_space<vmem>>, vector<16xf32>,
    %swap3A_285 = vector.shape_cast %swap3A_284 : vector<16xf32> to vector<16xf32>
    %swap3A_286 = vector.shape_cast %broadcast_in_dim3A_282 : vector<16xf32> to vector<16xf32>
    tpu.vector_store %arg8[%swap3A_283], %swap3A_286 {strides = array<i32>} : memref<512xf32, #tpu.memory_space<vmem>>, vector<16xf32>,
    %broadcast_in_dim3A_287 = arith.constant 1.000000e+00 : f32
    %broadcast_in_dim3A_288 = vector.broadcast %broadcast_in_dim3A_287 : f32 to vector<16xf32>
    %swap3A_289 = arith.constant 240 : index
    %swap3A_290 = tpu.vector_load %arg8[%swap3A_289] {strides = array<i32>} : memref<512xf32, #tpu.memory_space<vmem>>, vector<16xf32>,
    %swap3A_291 = vector.shape_cast %swap3A_290 : vector<16xf32> to vector<16xf32>
    %swap3A_292 = vector.shape_cast %broadcast_in_dim3A_288 : vector<16xf32> to vector<16xf32>
    tpu.vector_store %arg8[%swap3A_289], %swap3A_292 {strides = array<i32>} : memref<512xf32, #tpu.memory_space<vmem>>, vector<16xf32>,
    %broadcast_in_dim3A_293 = arith.constant 1.000000e+00 : f32
    %broadcast_in_dim3A_294 = vector.broadcast %broadcast_in_dim3A_293 : f32 to vector<16xf32>
    %swap3A_295 = arith.constant 256 : index
    %swap3A_296 = tpu.vector_load %arg8[%swap3A_295] {strides = array<i32>} : memref<512xf32, #tpu.memory_space<vmem>>, vector<16xf32>,
    %swap3A_297 = vector.shape_cast %swap3A_296 : vector<16xf32> to vector<16xf32>
    %swap3A_298 = vector.shape_cast %broadcast_in_dim3A_294 : vector<16xf32> to vector<16xf32>
    tpu.vector_store %arg8[%swap3A_295], %swap3A_298 {strides = array<i32>} : memref<512xf32, #tpu.memory_space<vmem>>, vector<16xf32>,
    %broadcast_in_dim3A_299 = arith.constant 1.000000e+00 : f32
    %broadcast_in_dim3A_300 = vector.broadcast %broadcast_in_dim3A_299 : f32 to vector<16xf32>
    %swap3A_301 = arith.constant 272 : index
    %swap3A_302 = tpu.vector_load %arg8[%swap3A_301] {strides = array<i32>} : memref<512xf32, #tpu.memory_space<vmem>>, vector<16xf32>,
    %swap3A_303 = vector.shape_cast %swap3A_302 : vector<16xf32> to vector<16xf32>
    %swap3A_304 = vector.shape_cast %broadcast_in_dim3A_300 : vector<16xf32> to vector<16xf32>
    tpu.vector_store %arg8[%swap3A_301], %swap3A_304 {strides = array<i32>} : memref<512xf32, #tpu.memory_space<vmem>>, vector<16xf32>,
    "tpu.region"() ({
      %run_scoped3A = tpu.sem_alloc : memref<!tpu.dma_semaphore, #tpu.memory_space<semaphore_mem>>
      %dma_start3A_312 = arith.constant 0 : i32
      %dma_start3A_313 = tpu.memref_slice %arg8[%dma_start3A_312] : memref<512xf32, #tpu.memory_space<vmem>> -> memref<288xf32, #tpu.memory_space<vmem>>
      %dma_start3A_314 = arith.constant 0 : i32
      %dma_start3A_315 = tpu.memref_slice %arg9[%dma_start3A_314] : memref<8192xf32, #tpu.memory_space<vmem_shared>> -> memref<8192xf32, #tpu.memory_space<vmem_shared>>
      tpu.enqueue_indirect_dma source(%dma_start3A_313 : memref<288xf32, #tpu.memory_space<vmem>>) target(%dma_start3A_315 : memref<8192xf32, #tpu.memory_space<vmem_shared>>) offsets(%arg6 : memref<288xi32, #tpu.memory_space<vmem>>) semaphore(%run_scoped3A : memref<!tpu.dma_semaphore, #tpu.memory_space<semaphore_mem>>) {add = true}
      %dma_wait3A_316 = arith.constant 0 : i32
      %dma_wait3A_317 = tpu.memref_slice %arg8[%dma_wait3A_316] : memref<512xf32, #tpu.memory_space<vmem>> -> memref<288xf32, #tpu.memory_space<vmem>>
      %dma_wait3A_318 = arith.constant 0 : i32
      %dma_wait3A_319 = tpu.memref_slice %arg9[%dma_wait3A_318] : memref<8192xf32, #tpu.memory_space<vmem_shared>> -> memref<8192xf32, #tpu.memory_space<vmem_shared>>
      tpu.wait_indirect_dma semaphore(%run_scoped3A : memref<!tpu.dma_semaphore, #tpu.memory_space<semaphore_mem>>) src(%dma_wait3A_317 : memref<288xf32, #tpu.memory_space<vmem>>) dst(%dma_wait3A_319 : memref<8192xf32, #tpu.memory_space<vmem_shared>>)
      tpu.yield
    }) : () -> ()
    %barrier3A_305 = arith.constant 0 : index
    tpu.barrier barrier_id(%barrier3A_305)
    %mul3A_306 = arith.constant 512 : i32
    %mul3A_307 = arith.muli %arg1, %mul3A_306 : i32
    %mul3A_308 = arith.constant 512 : i32
    %mul3A_309 = arith.muli %arg1, %mul3A_308 : i32
    "tpu.region"() ({
      %run_scoped3A = tpu.sem_alloc : memref<!tpu.dma_semaphore, #tpu.memory_space<semaphore_mem>>
      %dma_start3A_312 = tpu.memref_slice %arg5[%arg0, %mul3A_309] : memref<2x8192xf32, #tpu.memory_space<hbm>> -> memref<1x512xf32, #tpu.memory_space<hbm>>
      %dma_start3A_313 = tpu.memref_squeeze %dma_start3A_312 : memref<1x512xf32, #tpu.memory_space<hbm>> -> memref<512xf32, #tpu.memory_space<hbm>>
      %dma_start3A_314 = tpu.memref_slice %arg9[%mul3A_307] : memref<8192xf32, #tpu.memory_space<vmem_shared>> -> memref<512xf32, #tpu.memory_space<vmem_shared>>
      tpu.enqueue_dma source(%dma_start3A_314 : memref<512xf32, #tpu.memory_space<vmem_shared>>) target(%dma_start3A_313 : memref<512xf32, #tpu.memory_space<hbm>>) target_semaphore(%run_scoped3A : memref<!tpu.dma_semaphore, #tpu.memory_space<semaphore_mem>>)
      %dma_wait3A_315 = tpu.memref_slice %arg5[%arg0, %mul3A_309] : memref<2x8192xf32, #tpu.memory_space<hbm>> -> memref<1x512xf32, #tpu.memory_space<hbm>>
      %dma_wait3A_316 = tpu.memref_squeeze %dma_wait3A_315 : memref<1x512xf32, #tpu.memory_space<hbm>> -> memref<512xf32, #tpu.memory_space<hbm>>
      %dma_wait3A_317 = tpu.memref_slice %arg9[%mul3A_307] : memref<8192xf32, #tpu.memory_space<vmem_shared>> -> memref<512xf32, #tpu.memory_space<vmem_shared>>
      tpu.wait_dma2 semaphore(%run_scoped3A : memref<!tpu.dma_semaphore, #tpu.memory_space<semaphore_mem>>) src(%dma_wait3A_317 : memref<512xf32, #tpu.memory_space<vmem_shared>>) dst(%dma_wait3A_316 : memref<512xf32, #tpu.memory_space<hbm>>)
      tpu.yield
    }) : () -> ()
    %dma_wait3A = arith.constant 0 : i32
    %dma_wait3A_310 = arith.constant 0 : i32
    %dma_wait3A_311 = tpu.memref_slice %arg2[%dma_wait3A, %dma_wait3A_310] : memref<8192x256xf32, #tpu.memory_space<hbm>> -> memref<8192x256xf32, #tpu.memory_space<hbm>>
    tpu.wait_indirect_dma semaphore(%arg10 : memref<!tpu.dma_semaphore, #tpu.memory_space<semaphore_mem>>) src(%dma_wait3A_311 : memref<8192x256xf32, #tpu.memory_space<hbm>>) dst(%arg7 : memref<288x256xf32, #tpu.memory_space<vmem>>)
    "tpu.region"() ({
      %run_scoped3A = tpu.sem_alloc : memref<!tpu.dma_semaphore, #tpu.memory_space<semaphore_mem>>
      %dma_start3A_312 = arith.constant 0 : i32
      %dma_start3A_313 = tpu.memref_slice %arg4[%mul3A_2, %dma_start3A_312] : memref<9216x256xf32, #tpu.memory_space<hbm>> -> memref<288x256xf32, #tpu.memory_space<hbm>>
      %dma_start3A_314 = arith.constant 0 : i32
      %dma_start3A_315 = tpu.memref_slice %arg4[%mul3A_2, %dma_start3A_314] : memref<9216x256xf32, #tpu.memory_space<hbm>> -> memref<288x256xf32, #tpu.memory_space<hbm>>
      tpu.enqueue_dma source(%arg7 : memref<288x256xf32, #tpu.memory_space<vmem>>) target(%dma_start3A_315 : memref<288x256xf32, #tpu.memory_space<hbm>>) target_semaphore(%run_scoped3A : memref<!tpu.dma_semaphore, #tpu.memory_space<semaphore_mem>>)
      %dma_wait3A_316 = arith.constant 0 : i32
      %dma_wait3A_317 = tpu.memref_slice %arg4[%mul3A_2, %dma_wait3A_316] : memref<9216x256xf32, #tpu.memory_space<hbm>> -> memref<288x256xf32, #tpu.memory_space<hbm>>
      %dma_wait3A_318 = arith.constant 0 : i32
      %dma_wait3A_319 = tpu.memref_slice %arg4[%mul3A_2, %dma_wait3A_318] : memref<9216x256xf32, #tpu.memory_space<hbm>> -> memref<288x256xf32, #tpu.memory_space<hbm>>
      tpu.wait_dma2 semaphore(%run_scoped3A : memref<!tpu.dma_semaphore, #tpu.memory_space<semaphore_mem>>) src(%arg7 : memref<288x256xf32, #tpu.memory_space<vmem>>) dst(%dma_wait3A_319 : memref<288x256xf32, #tpu.memory_space<hbm>>)
      tpu.yield
    }) : () -> ()
    return
  }
}

module attributes {stable_mosaic.version = 14 : i64} {
  func.func @_ppl_body(%arg0: memref<2x8192xf32, #tpu.memory_space<vmem>>, %arg1: memref<1x1xf32, #tpu.memory_space<vmem>>) attributes {dimension_semantics = [], scalar_prefetch = 0 : i64, scratch_operands = 0 : i64, tpu.core_type = #tpu.core_type<tc>} {
    %get3A = arith.constant 0 : index
    %get3A_0 = arith.constant 0 : index
    %get3A_1 = vector.load %arg0[%get3A, %get3A_0] : memref<2x8192xf32, #tpu.memory_space<vmem>>, vector<1x8192xf32>
    %get3A_2 = arith.constant 1 : index
    %get3A_3 = arith.constant 0 : index
    %get3A_4 = vector.load %arg0[%get3A_2, %get3A_3] : memref<2x8192xf32, #tpu.memory_space<vmem>>, vector<1x8192xf32>
    %add3A = arith.addf %get3A_1, %get3A_4 : vector<1x8192xf32>
    %mul3A = arith.constant 1.08506945E-4 : f32
    %mul3A_5 = vector.broadcast %mul3A : f32 to vector<1x8192xf32>
    %mul3A_6 = arith.mulf %add3A, %mul3A_5 : vector<1x8192xf32>
    %add3A_7 = arith.constant 1.000000e-10 : f32
    %add3A_8 = vector.broadcast %add3A_7 : f32 to vector<1x8192xf32>
    %add3A_9 = arith.addf %mul3A_6, %add3A_8 : vector<1x8192xf32>
    %log3A = math.log %add3A_9 : vector<1x8192xf32>
    %mul3A_10 = arith.mulf %mul3A_6, %log3A : vector<1x8192xf32>
    %reduce_sum3A = vector.shape_cast %mul3A_10 : vector<1x8192xf32> to vector<1x1x8192xf32>
    %reduce_sum3A_11 = arith.constant dense<0.000000e+00> : vector<1xf32>
    %reduce_sum3A_12 = vector.multi_reduction <add>, %reduce_sum3A, %reduce_sum3A_11 [1, 2] : vector<1x1x8192xf32> to vector<1xf32>
    %reduce_sum3A_13 = vector.shape_cast %reduce_sum3A_12 : vector<1xf32> to vector<1x1x1xf32>
    %reduce_sum3A_14 = vector.extract %reduce_sum3A_13[0, 0, 0] : f32 from vector<1x1x1xf32>
    %neg3A = arith.constant 0.000000e+00 : f32
    %neg3A_15 = arith.subf %neg3A, %reduce_sum3A_14 : f32
    %exp3A = math.exp %neg3A_15 : f32
    %reshape3A = vector.broadcast %exp3A : f32 to vector<1x1xf32>
    %swap3A = arith.constant 0 : index
    %swap3A_16 = arith.constant 0 : index
    %swap3A_17 = vector.load %arg1[%swap3A, %swap3A_16] : memref<1x1xf32, #tpu.memory_space<vmem>>, vector<1x1xf32>
    tpu.vector_store %arg1[%swap3A, %swap3A_16], %reshape3A {strides = array<i32>} : memref<1x1xf32, #tpu.memory_space<vmem>>, vector<1x1xf32>,
    return
  }
}

module attributes {stable_mosaic.version = 14 : i64} {
  func.func @_tc_body(%arg0: i32, %arg1: memref<256x256xf32, #tpu.memory_space<vmem>>, %arg2: memref<8192x256xf32, #tpu.memory_space<vmem>>, %arg3: memref<256xi32, #tpu.memory_space<vmem>>, %arg4: memref<1x1xf32, #tpu.memory_space<vmem>>, %arg5: memref<1x1xf32, #tpu.memory_space<vmem>>, %arg6: memref<1x8192xf32, #tpu.memory_space<vmem>>, %arg7: memref<1x8192xf32, #tpu.memory_space<vmem>>) attributes {dimension_semantics = [#tpu.dimension_semantics<arbitrary>], iteration_bounds = array<i64: 36>, scalar_prefetch = 0 : i64, scratch_operands = 3 : i64, tpu.core_type = #tpu.core_type<tc>, window_params = [{transform_indices = @transform_0, window_bounds = array<i64: 256, 256>}, {pipeline_mode = #tpu.pipeline_mode<synchronous>, transform_indices = @transform_1, window_bounds = array<i64: 8192, 256>}, {transform_indices = @transform_2, window_bounds = array<i64: 256>}, {pipeline_mode = #tpu.pipeline_mode<synchronous>, transform_indices = @transform_3, window_bounds = array<i64: 1, 1>}]} {
    %eq3A = arith.constant 0 : i32
    %eq3A_0 = arith.cmpi eq, %arg0, %eq3A : i32
    %convert_element_type3A = arith.extui %eq3A_0 : i1 to i32
    %cond3A = arith.constant 0 : i32
    %cond3A_1 = arith.cmpi ne, %convert_element_type3A, %cond3A : i32
    scf.if %cond3A_1 {
      %broadcast_in_dim3A_46 = arith.constant 0.000000e+00 : f32
      %broadcast_in_dim3A_47 = vector.broadcast %broadcast_in_dim3A_46 : f32 to vector<1x1xf32>
      %swap3A_48 = arith.constant 0 : index
      %swap3A_49 = arith.constant 0 : index
      %swap3A_50 = vector.load %arg5[%swap3A_48, %swap3A_49] : memref<1x1xf32, #tpu.memory_space<vmem>>, vector<1x1xf32>
      tpu.vector_store %arg5[%swap3A_48, %swap3A_49], %broadcast_in_dim3A_47 {strides = array<i32>} : memref<1x1xf32, #tpu.memory_space<vmem>>, vector<1x1xf32>,
      %get3A_51 = arith.constant 0 : index
      %get3A_52 = arith.constant 0 : index
      %get3A_53 = vector.load %arg2[%get3A_51, %get3A_52] : memref<8192x256xf32, #tpu.memory_space<vmem>>, vector<8192x256xf32>
      %mul3A_54 = arith.mulf %get3A_53, %get3A_53 : vector<8192x256xf32>
      %reduce_sum3A_55 = arith.constant dense<0.000000e+00> : vector<8192xf32>
      %reduce_sum3A_56 = vector.multi_reduction <add>, %mul3A_54, %reduce_sum3A_55 [1] : vector<8192x256xf32> to vector<8192xf32>
      %broadcast_in_dim3A_57 = vector.shape_cast %reduce_sum3A_56 : vector<8192xf32> to vector<1x8192xf32>
      %swap3A_58 = arith.constant 0 : index
      %swap3A_59 = arith.constant 0 : index
      %swap3A_60 = vector.load %arg6[%swap3A_58, %swap3A_59] : memref<1x8192xf32, #tpu.memory_space<vmem>>, vector<1x8192xf32>
      tpu.vector_store %arg6[%swap3A_58, %swap3A_59], %broadcast_in_dim3A_57 {strides = array<i32>} : memref<1x8192xf32, #tpu.memory_space<vmem>>, vector<1x8192xf32>,
      %iota3A = tpu.iota {dimensions = array<i32: 1>} : vector<1x8192xi32>
      %convert_element_type3A_61 = arith.sitofp %iota3A : vector<1x8192xi32> to vector<1x8192xf32>
      %swap3A_62 = arith.constant 0 : index
      %swap3A_63 = arith.constant 0 : index
      %swap3A_64 = vector.load %arg7[%swap3A_62, %swap3A_63] : memref<1x8192xf32, #tpu.memory_space<vmem>>, vector<1x8192xf32>
      tpu.vector_store %arg7[%swap3A_62, %swap3A_63], %convert_element_type3A_61 {strides = array<i32>} : memref<1x8192xf32, #tpu.memory_space<vmem>>, vector<1x8192xf32>,
    } else {
    }
    %get3A = arith.constant 0 : index
    %get3A_2 = arith.constant 0 : index
    %get3A_3 = vector.load %arg1[%get3A, %get3A_2] : memref<256x256xf32, #tpu.memory_space<vmem>>, vector<256x256xf32>
    %get3A_4 = arith.constant 0 : index
    %get3A_5 = arith.constant 0 : index
    %get3A_6 = vector.load %arg2[%get3A_4, %get3A_5] : memref<8192x256xf32, #tpu.memory_space<vmem>>, vector<8192x256xf32>
    %add3A = arith.addf %get3A_3, %get3A_3 : vector<256x256xf32>
    %dot_general3A = arith.constant dense<0.000000e+00> : vector<256x8192xf32>
    %dot_general3A_7 = tpu.matmul %add3A, %get3A_6, %dot_general3A {dimension_numbers = #tpu.dot_dimension_numbers<[1], [1], [0], [0], [0, 0, 1, 0], [], []>, transpose_lhs_hint = false} : vector<256x256xf32>, vector<8192x256xf32>, vector<256x8192xf32> -> vector<256x8192xf32>
    %mul3A = arith.mulf %get3A_3, %get3A_3 : vector<256x256xf32>
    %reduce_sum3A = arith.constant dense<0.000000e+00> : vector<256xf32>
    %reduce_sum3A_8 = vector.multi_reduction <add>, %mul3A, %reduce_sum3A [1] : vector<256x256xf32> to vector<256xf32>
    %broadcast_in_dim3A = vector.shape_cast %reduce_sum3A_8 : vector<256xf32> to vector<256x1xf32>
    %sub3A = vector.broadcast %broadcast_in_dim3A : vector<256x1xf32> to vector<256x8192xf32>
    %sub3A_9 = arith.subf %sub3A, %dot_general3A_7 : vector<256x8192xf32>
    %get3A_10 = arith.constant 0 : index
    %get3A_11 = arith.constant 0 : index
    %get3A_12 = vector.load %arg6[%get3A_10, %get3A_11] : memref<1x8192xf32, #tpu.memory_space<vmem>>, vector<1x8192xf32>
    %add3A_13 = vector.broadcast %get3A_12 : vector<1x8192xf32> to vector<256x8192xf32>
    %add3A_14 = arith.addf %sub3A_9, %add3A_13 : vector<256x8192xf32>
    %reduce_min3A = arith.constant dense<0x7F800000> : vector<256xf32>
    %reduce_min3A_15 = vector.multi_reduction <minimumf>, %add3A_14, %reduce_min3A [1] : vector<256x8192xf32> to vector<256xf32>
    %broadcast_in_dim3A_16 = vector.shape_cast %reduce_min3A_15 : vector<256xf32> to vector<256x1xf32>
    %eq3A_17 = vector.broadcast %broadcast_in_dim3A_16 : vector<256x1xf32> to vector<256x8192xf32>
    %eq3A_18 = arith.cmpf oeq, %add3A_14, %eq3A_17 : vector<256x8192xf32>
    %get3A_19 = arith.constant 0 : index
    %get3A_20 = arith.constant 0 : index
    %get3A_21 = vector.load %arg7[%get3A_19, %get3A_20] : memref<1x8192xf32, #tpu.memory_space<vmem>>, vector<1x8192xf32>
    %jit3A = arith.constant 8.192000e+03 : f32
    %broadcast_in_dim3A_22 = vector.shape_cast %get3A_21 : vector<1x8192xf32> to vector<1x8192xf32>
    %broadcast_in_dim3A_23 = vector.broadcast %broadcast_in_dim3A_22 : vector<1x8192xf32> to vector<256x8192xf32>
    %broadcast_in_dim3A_24 = vector.broadcast %jit3A : f32 to vector<256x8192xf32>
    %select_n3A = arith.select %eq3A_18, %broadcast_in_dim3A_23, %broadcast_in_dim3A_24 : vector<256x8192xi1>, vector<256x8192xf32>
    %reduce_min3A_25 = arith.constant dense<0x7F800000> : vector<256xf32>
    %reduce_min3A_26 = vector.multi_reduction <minimumf>, %select_n3A, %reduce_min3A_25 [1] : vector<256x8192xf32> to vector<256xf32>
    %convert_element_type3A_27 = arith.fptosi %reduce_min3A_26 : vector<256xf32> to vector<256xi32>
    %swap3A = arith.constant 0 : index
    %swap3A_28 = vector.load %arg3[%swap3A] : memref<256xi32, #tpu.memory_space<vmem>>, vector<256xi32>
    tpu.vector_store %arg3[%swap3A], %convert_element_type3A_27 {strides = array<i32>} : memref<256xi32, #tpu.memory_space<vmem>>, vector<256xi32>,
    %get3A_29 = arith.constant 0 : index
    %get3A_30 = arith.constant 0 : index
    %get3A_31 = vector.load %arg5[%get3A_29, %get3A_30] : memref<1x1xf32, #tpu.memory_space<vmem>>, vector<1x1xf32>
    %reduce_sum3A_32 = vector.shape_cast %broadcast_in_dim3A_16 : vector<256x1xf32> to vector<1x256x1xf32>
    %reduce_sum3A_33 = arith.constant dense<0.000000e+00> : vector<1xf32>
    %reduce_sum3A_34 = vector.multi_reduction <add>, %reduce_sum3A_32, %reduce_sum3A_33 [1, 2] : vector<1x256x1xf32> to vector<1xf32>
    %reduce_sum3A_35 = vector.shape_cast %reduce_sum3A_34 : vector<1xf32> to vector<1x1x1xf32>
    %reduce_sum3A_36 = vector.extract %reduce_sum3A_35[0, 0, 0] : f32 from vector<1x1x1xf32>
    %reshape3A = vector.broadcast %reduce_sum3A_36 : f32 to vector<1x1xf32>
    %add3A_37 = arith.addf %get3A_31, %reshape3A : vector<1x1xf32>
    %swap3A_38 = arith.constant 0 : index
    %swap3A_39 = arith.constant 0 : index
    %swap3A_40 = vector.load %arg5[%swap3A_38, %swap3A_39] : memref<1x1xf32, #tpu.memory_space<vmem>>, vector<1x1xf32>
    tpu.vector_store %arg5[%swap3A_38, %swap3A_39], %add3A_37 {strides = array<i32>} : memref<1x1xf32, #tpu.memory_space<vmem>>, vector<1x1xf32>,
    %eq3A_41 = arith.constant 35 : i32
    %eq3A_42 = arith.cmpi eq, %arg0, %eq3A_41 : i32
    %convert_element_type3A_43 = arith.extui %eq3A_42 : i1 to i32
    %cond3A_44 = arith.constant 0 : i32
    %cond3A_45 = arith.cmpi ne, %convert_element_type3A_43, %cond3A_44 : i32
    scf.if %cond3A_45 {
      %get3A_46 = arith.constant 0 : index
      %get3A_47 = arith.constant 0 : index
      %get3A_48 = vector.load %arg5[%get3A_46, %get3A_47] : memref<1x1xf32, #tpu.memory_space<vmem>>, vector<1x1xf32>
      %mul3A_49 = arith.constant 5.2981909E-7 : f32
      %mul3A_50 = vector.broadcast %mul3A_49 : f32 to vector<1x1xf32>
      %mul3A_51 = arith.mulf %get3A_48, %mul3A_50 : vector<1x1xf32>
      %swap3A_52 = arith.constant 0 : index
      %swap3A_53 = arith.constant 0 : index
      %swap3A_54 = vector.load %arg4[%swap3A_52, %swap3A_53] : memref<1x1xf32, #tpu.memory_space<vmem>>, vector<1x1xf32>
      tpu.vector_store %arg4[%swap3A_52, %swap3A_53], %mul3A_51 {strides = array<i32>} : memref<1x1xf32, #tpu.memory_space<vmem>>, vector<1x1xf32>,
    } else {
    }
    return
  }
  func.func @transform_0(%arg0: i32) -> (i32, i32) {
    %c0_i32 = arith.constant 0 : i32
    %c0_i32_0 = arith.constant 0 : i32
    return %arg0, %c0_i32 : i32, i32
  }
  func.func @transform_1(%arg0: i32) -> (i32, i32) {
    %c0_i32 = arith.constant 0 : i32
    %c0_i32_0 = arith.constant 0 : i32
    %c0_i32_1 = arith.constant 0 : i32
    return %c0_i32, %c0_i32_0 : i32, i32
  }
  func.func @transform_2(%arg0: i32) -> i32 {
    %c0_i32 = arith.constant 0 : i32
    return %arg0 : i32
  }
  func.func @transform_3(%arg0: i32) -> (i32, i32) {
    %c0_i32 = arith.constant 0 : i32
    %c0_i32_0 = arith.constant 0 : i32
    %c0_i32_1 = arith.constant 0 : i32
    return %c0_i32, %c0_i32_0 : i32, i32
  }
}

</mosaic_0001>

<sc_bundles>
// kernel: kernel.5.cloned.1.call-start
scs
__scs_entry_jumppad:
0x0: {  	(pc) =	sbr.rel $0x88, $3  }
0x1: {  	(tag) =	ssettag $0x0;
	lr =	simm.s32 $0x1  }
0x2: {  	[smem:$0x3F9F] =	sst lr;
	_ =	strace $0xD0000000  }
0x3: {  	_ = 	snop  }
0x4: {  	_ = 	snop  }
0x5: {  	_ = 	snop  }
0x6: {  	_ = 	snop  }
0x7: {  	_ = 	snop  }
__scs_overlays_trampoline_lowered:
0x8: {  	[smem:$0x3FAE] =	sst s0  }
0x9: {  	[smem:$0x3FAF] =	sst s1  }
0xa: {  	[smem:$0x3FB0] =	sst s2  }
0xb: {  	[smem:$0x3FB1] =	sst s3  }
0xc: {  	[smem:$0x3FB2] =	sst s4  }
0xd: {  	[smem:$0x3FB3] =	sst s5  }
0xe: {  	[smem:$0x3FB4] =	sst s6  }
0xf: {  	[smem:$0x3FB5] =	sst s7  }
0x10: {  	[smem:$0x3FB6] =	sst s8  }
0x11: {  	[smem:$0x3FB7] =	sst s9;
	s0 =	simm.s32 @!p0 $0x0  }
0x12: {  	s1 =	sld [smem:$0x3F9D];
	s0 =	simm.s32 @p0 $0x1  }
0x13: {  	[smem:$0x3FB8] =	sst s0;
	s0 =	simm.s32 @!p1 $0x0  }
0x14: {  	s2 =	sld [smem:$0x3F9C];
	s0 =	simm.s32 @p1 $0x1  }
0x15: {  	[smem:$0x3FB9] =	sst s0;
	s0 =	simm.s32 @!p2 $0x0  }
0x16: {  	s3 =	sld [smem:$0x3FDB];
	s0 =	simm.s32 @p2 $0x1  }
0x17: {  	s4 =	simm.s32 $0x1BF5;
	[smem:$0x3FBB] =	sst s0  }
0x18: {  	s0 =	sld [smem:$0x3F9E];
	_ =	swait.ge [sflag:s4], $0x0  }
0x19: {  	s7 =	sld [smem:$0x3F9F]  }
0x1a: {  	s8 =	sadd.s32 $0xFFFFE003, lr  }
0x1b: {  	s9 =	sadd.s32 $0xFFFFFEF7, lr;
	s5 =	simm.s32 $0xFFFFFFFF;
	p2 =	slt.u32 s8, $0xFFFFF086  }
0x1c: {  	p1 =	slt.u32 s9, $0xF7A;
	s5 =	simm.s32 @!p2 $0x0  }
0x1d: {  	s5 =	simm.s32 @p1 $0x1;
	p0 =	seq.s32 s7, s2  }
0x1e: {  	s7 =	smul.u32 @!p0 $0xF7A, s2;
	p2 =	seq.s32 @!p0 s5, $0x0  }
0x1f: {  	s9 =	smul.u32 $0xF7A, s1;
	s8 =	simm.s32 @!p0 $0x1BF5;
	p2 =	por !p2, p0  }
0x20: {  	[sflag:s8] =	ssyncset.s32 @!p0 $0xFFFFF086;
	s6 =	sadd.s32 @!p0 s3, s7;
	s7 =	simm.s32 @!p0 $0x108  }
0x21: {  	s3 =	sadd.s32 s3, s9;
	s6 =	sadd.s32 @!p0 $0x88, s6;
	s7 =	simm.s32 @p2 $0x1082  }
0x22: {  	[simem:s7], [sflag:s8] =	dma.local @!p0 [hbm:s6], $0xF7A  }
0x23: {  	s9 =	sor.u32 $0xD0000000, s2;
	s6 =	simm.s32 $0x108;
	_ =	swait.ge @!p0 [sflag:s8], $0x0  }
0x24: {  	s3 =	sadd.s32 $0x88, s3;
	s6 =	simm.s32 @!p1 $0x1082;
	[sflag:s4] =	ssyncset.s32 $0xFFFFF086  }
0x25: {  	[simem:s6], [sflag:s4] =	dma.local [hbm:s3], $0xF7A  }
0x26: {  	[smem:$0x3F9F] =	sst s1;
	(tag) =	ssettag s2;
	_ =	strace s9  }
0x27: {  	s1 =	sld [smem:$0x3FAF]  }
0x28: {  	s2 =	sld [smem:$0x3FB0]  }
0x29: {  	s4 =	sld [smem:$0x3FB2]  }
0x2a: {  	p0 =	seq.s32 s5, $0x0;
	s5 =	sld [smem:$0x3FB3]  }
0x2b: {  	s6 =	sld [smem:$0x3FB4]  }
0x2c: {  	s7 =	sld [smem:$0x3FB5]  }
0x2d: {  	s3 =	simm.s32 $0x108;
	s8 =	sld [smem:$0x3FB6]  }
0x2e: {  	s3 =	simm.s32 @!p0 $0x1082;
	s9 =	sld [smem:$0x3FB7]  }
0x2f: {  	lr =	sadd.s32 s0, s3;
	s0 =	sld [smem:$0x3FAE]  }
0x30: {  	s3 =	sld [smem:$0x3FB1]  }
0x31: {  	[smem:$0x3FBA] =	sst s10  }
0x32: {  	s10 =	sld [smem:$0x3FB8];
	_ =	sdelay $0x3  }
0x33: {  	p0 =	seq.s32 s10, $0x1;
	s10 =	sld [smem:$0x3FBA];
	_ =	sdelay $0x3  }
0x34: {  	[smem:$0x3FBA] =	sst s10  }
0x35: {  	s10 =	sld [smem:$0x3FB9];
	_ =	sdelay $0x3  }
0x36: {  	p1 =	seq.s32 s10, $0x1;
	s10 =	sld [smem:$0x3FBA];
	_ =	sdelay $0x3  }
0x37: {  	[smem:$0x3FBA] =	sst s10  }
0x38: {  	s10 =	sld [smem:$0x3FBB]  }
0x39: {  	_ = 	snop;
	(pc) =	sbr.ind lr, $3  }
0x3a: {  	_ = 	snop  }
0x3b: {  	_ = 	snop  }
0x3c: {  	p2 =	seq.s32 s10, $0x1;
	s10 =	sld [smem:$0x3FBA]  }
0x3d: {  	_ =	shalt  }
0x3e: {  	_ =	shalt  }
0x3f: {  	_ =	shalt  }
0x40: {  	_ =	shalt  }
0x41: {  	_ =	shalt  }
0x42: {  	_ =	shalt  }
0x43: {  	_ =	shalt  }
0x44: {  	_ =	shalt  }
0x45: {  	_ =	shalt  }
0x46: {  	_ =	shalt  }
0x47: {  	_ =	shalt  }
0x48: {  	_ =	shalt  }
0x49: {  	_ =	shalt  }
0x4a: {  	_ =	shalt  }
0x4b: {  	_ =	shalt  }
0x4c: {  	_ =	shalt  }
0x4d: {  	_ =	shalt  }
0x4e: {  	_ =	shalt  }
0x4f: {  	_ =	shalt  }
0x50: {  	_ =	shalt  }
0x51: {  	_ =	shalt  }
0x52: {  	_ =	shalt  }
0x53: {  	_ =	shalt  }
0x54: {  	_ =	shalt  }
0x55: {  	_ =	shalt  }
0x56: {  	_ =	shalt  }
0x57: {  	_ =	shalt  }
0x58: {  	_ =	shalt  }
0x59: {  	_ =	shalt  }
0x5a: {  	_ =	shalt  }
0x5b: {  	_ =	shalt  }
0x5c: {  	_ =	shalt  }
0x5d: {  	_ =	shalt  }
0x5e: {  	_ =	shalt  }
0x5f: {  	_ =	shalt  }
0x60: {  	_ =	shalt  }
0x61: {  	_ =	shalt  }
0x62: {  	_ =	shalt  }
0x63: {  	_ =	shalt  }
0x64: {  	_ =	shalt  }
0x65: {  	_ =	shalt  }
0x66: {  	_ =	shalt  }
0x67: {  	_ =	shalt  }
0x68: {  	_ =	shalt  }
0x69: {  	_ =	shalt  }
0x6a: {  	_ =	shalt  }
0x6b: {  	_ =	shalt  }
0x6c: {  	_ =	shalt  }
0x6d: {  	_ =	shalt  }
0x6e: {  	_ =	shalt  }
0x6f: {  	_ =	shalt  }
0x70: {  	_ =	shalt  }
0x71: {  	_ =	shalt  }
0x72: {  	_ =	shalt  }
0x73: {  	_ =	shalt  }
0x74: {  	_ =	shalt  }
0x75: {  	_ =	shalt  }
0x76: {  	_ =	shalt  }
0x77: {  	_ =	shalt  }
0x78: {  	_ =	shalt  }
0x79: {  	_ =	shalt  }
0x7a: {  	_ =	shalt  }
0x7b: {  	_ =	shalt  }
0x7c: {  	_ =	shalt  }
0x7d: {  	_ =	shalt  }
0x7e: {  	_ =	shalt  }
0x7f: {  	_ =	shalt  }
0x80: {  	_ =	shalt  }
0x81: {  	_ =	shalt  }
0x82: {  	_ =	shalt  }
0x83: {  	_ =	shalt  }
0x84: {  	_ =	shalt  }
0x85: {  	_ =	shalt  }
0x86: {  	_ =	shalt  }
0x87: {  	_ =	shalt  }
.Lfunc_end0:
.L_simem_size_0:
called_computation_lowered:
.L_overlay_start_0:
0x88: {  	s2 =	sld [smem:$0x3FD9]  }
0x89: {  	s3 =	sld [smem:$0x3FFE];
	_ =	sdelay $0x1  }
0x8a: {  	s1 =	srdreg.scid  }
0x8b: {  	s0 =	sand.u32 $0x1, s1  }
0x8c: {  	s14 =	sshll.u32 s0, $0xA;
	s2 =	sadd.s32 s3, s2  }
0x8d: {  	s2 =	sadd.s32 s2, s14  }
0x8e: {  	[smem:$0x3FC6] =	sst s2  }
0x8f: {  	_ = 	snop  }
0x90: {  	s2 =	sld [smem:$0x3FD0];
	_ =	sdelay $0x2  }
0x91: {  	s4 =	simm.s32 $0xA;
	s5 =	simm.s32 $0x10;
	s15 =	sld [smem:$0x3FC8]  }
0x92: {  	[smem:s5], [sflag:s4] =	dma.local [hbm:s2], $0x1  }
0x93: {  	_ =	swait.eq [sflag:s4], $0x1  }
0x94: {  	[sflag:s4] =	ssyncset.done $0x0  }
0x95: {  	s16 =	sld [smem:$0x10];
	[sflag:s4] =	ssyncadd.s32 $0xFFFFFFFF  }
0x96: {  	s17 =	sld [smem:$0x13];
	(tm) =	ssettm $0x1  }
0x97: {  	s18 =	sld [smem:$0x3FFB];
	_ =	sdelay $0x3  }
0x98: {  	_ =	strace s18  }
0x99: {  	s5 =	sld [smem:$0x3FFC];
	_ =	sdelay $0x3  }
0x9a: {  	_ =	strace s5  }
0x9b: {  	s5 =	sld [smem:$0x3FFD];
	_ =	sdelay $0x3  }
0x9c: {  	_ =	strace s5  }
0x9d: {  	_ =	strace $0x8FFFFFFF  }
0x9e: {  	s19 =	sld [smem:$0x3FDB];
	_ =	sdelay $0x1  }
0x9f: {  	s6 =	simm.s32 $_scs_section_size  }
0xa0: {  	s7 =	simm.s32 $_size__tile_overlayer_lowered;
	s8 =	simm.s32 $_tile_overlayer_lowered  }
0xa1: {  	s22 =	simm.s32 $0x1BFF;
	s21 =	sshll.u32 s8, $0x1;
	s5 =	sadd.s32 s6, s19  }
0xa2: {  	s9 =	simm.s32 $0x0;
	s20 =	sshll.u32 s7, $0x1;
	s7 =	sadd.s32 s21, s5  }
0xa3: {  	[timem:s9], [sflag:s22] =	dma.local [hbm:s7], s20  }
0xa4: {  	_ =	swait.ge [sflag:s22], s20  }
0xa5: {  	s6 =	ssub.s32 $0x0, s20;
	[sflag:s22] =	ssyncset.done $0x0  }
0xa6: {  	[sflag:s22] =	ssyncadd.s32 s6;
	_ =	sdelay $0x1  }
0xa7: {  	s23 =	simm.s32 $0x1B8B  }
0xa8: {  	_ =	swait.ge [sflag:s23], $0x1  }
0xa9: {  	[sflag:s23] =	ssyncset.done $0x0  }
0xaa: {  	s25 =	simm.s32 $0x1B8E;
	s24 =	sld [smem:$0x3FFE];
	[sflag:s23] =	ssyncadd.s32 $0xFFFFFFFF  }
0xab: {  	s26 =	simm.s32 $execute0_lowered;
	[smem:$0x3FD2] =	sst s25  }
0xac: {  	s7 =	sshll.u32 s26, $0x1;
	_ =	strace $0x80000046;
	[dreg:$0x1] =	wrdreg $0xFFFFFFFF  }
0xad: {  	s28 =	simm.s32 $_size_execute0_lowered;
	s5 =	sadd.s32 s5, s7;
	[dreg:$0x0] =	wrdreg $0x0  }
0xae: {  	s7 =	sshll.u32 s28, $0x1;
	[dreg:$0x2] =	wrdreg s5  }
0xaf: {  	[dreg:$0x3] =	wrdreg s7  }
0xb0: {  	[dreg:$0x4] =	wrdreg $0xC0  }
0xb1: {  	_ =	task [dreg:s9], $0x5FFFF  }
0xb2: {  	[dreg:$0x1] =	wrdreg $0xFFFFFFFF  }
0xb3: {  	[dreg:$0x0] =	wrdreg $0x60  }
0xb4: {  	[dreg:$0x2] =	wrdreg s15  }
0xb5: {  	[dreg:$0x3] =	wrdreg s17  }
0xb6: {  	[dreg:$0x4] =	wrdreg s16  }
0xb7: {  	[dreg:$0x5] =	wrdreg s24  }
0xb8: {  	[dreg:$0x6] =	wrdreg $0x123800  }
0xb9: {  	[dreg:$0x7] =	wrdreg $0x9  }
0xba: {  	_ =	task.clear_ibuf [dreg:s9], $0x8FFFF;
	_ =	strace $0x90000046  }
0xbb: {  	s29 =	simm.s32 $0x9;
	_ =	strace $0x80000048  }
0xbc: {  	_ =	swait.ge [sflag:s29], $0x1  }
0xbd: {  	[sflag:s29] =	ssyncadd.s32 $0xFFFFFFFF  }
0xbe: {  	_ =	strace $0x90000048  }
0xbf: {  	_ =	sfence  }
0xc0: {  	s30 =	sld [smem:$0x0];
	_ =	sdelay $0x2  }
0xc1: {  	s31 =	sshll.u32 s1, $0xD;
	s1 =	sshrl.u32 s1, $0x2  }
0xc2: {  	s3 =	sand.u32 $0x4000, s31;
	s1 =	sadd.s32 s1, s30  }
0xc3: {  	s0 =	sor.u32 s3, s0;
	s1 =	sshll.u32 s1, $0x11  }
0xc4: {  	s0 =	sor.u32 s1, s0  }
0xc5: {  	s0 =	sadd.s32 $0x8F2B, s0  }
0xc6: {  	[sflag:s0] =	ssyncadd.remote.s32 $0x1  }
0xc7: {  	_ =	sfence.sel $0xFFFF  }
0xc8: {  	[dreg:$0x0] =	wrdreg $0xFFFFFFFF;
	(pc) =	sbr.abs _section_cstart, $3  }
0xc9: {  	[dreg:$0x1] =	wrdreg $0xFFFFFFFF  }
0xca: {  	_ =	task.clear_ibuf [dreg:s9], $0x2FFFF;
	_ =	strace $0x9FFFFFFF  }
0xcb: {  	(tm) =	ssettm $0x7FFFFFFF  }
tec
execute0_lowered:
.L_overlay_start_1:
0x0: {  	(tag) =	ssettag $0x1  }
0x1: {  	s0 =	rddreg [dreg:$0x0]  }
0x2: {  	s5 =	rddreg [dreg:$0x1]  }
0x3: {  	s6 =	rddreg [dreg:$0x2]  }
0x4: {  	s7 =	rddreg [dreg:$0x3]  }
0x5: {  	s2 =	srdreg.scid;
	s3 =	rddreg [dreg:$0x4]  }
0x6: {  	s4 =	simm.s32 $0x0;
	s8 =	sand.u32 $0x1, s2;
	s2 =	rddreg [dreg:$0x5]  }
0x7: {  	s31 =	simm.s32 $0x980;
	[smem:$0x7FF] =	sst s4  }
0x8: {  	s12 =	simm.s32 $0x3980;
	_ =	strace $0x80000047;
	[dreg:$0x9] =	wrdreg s31  }
0x9: {  	s13 =	simm.s32 $0x4180;
	[dreg:$0xf] =	wrdreg s12  }
0xa: {  	s14 =	simm.s32 $0x4980;
	[dreg:$0x10] =	wrdreg s13  }
0xb: {  	s15 =	simm.s32 $0x5180;
	[dreg:$0x11] =	wrdreg s14  }
0xc: {  	s1 =	stileid.u32;
	s16 =	simm.s32 $0x5980;
	[dreg:$0x12] =	wrdreg s15  }
0xd: {  	s17 =	simm.s32 $0x6180;
	s18 =	simm.s32 $0x6980;
	[dreg:$0x13] =	wrdreg s16  }
0xe: {  	s19 =	simm.s32 $0x7180;
	s21 =	simm.s32 $0x7980;
	[dreg:$0x14] =	wrdreg s17  }
0xf: {  	s23 =	simm.s32 $0x8180;
	s24 =	simm.s32 $0x8980;
	[dreg:$0x15] =	wrdreg s18  }
0x10: {  	s28 =	simm.s32 $0x10;
	s9 =	sshll.u32 s1, $0x1;
	[dreg:$0x16] =	wrdreg s19  }
0x11: {  	s26 =	sshll.u32 s1, $0x7;
	s25 =	sshll.u32 s1, $0x9;
	[dreg:$0x17] =	wrdreg s21  }
0x12: {  	s9 =	sor.u32 s8, s9;
	s10 =	sshll.u32 s8, $0x4;
	[dreg:$0x18] =	wrdreg s23  }
0x13: {  	s20 =	ssub.s32 $0x2, s8;
	[dreg:$0x19] =	wrdreg s24;
	s31 =	simm.s32 $0xA980  }
0x14: {  	s8 =	simm.s32 $0x12180;
	s12 =	simm.s32 $0xC180;
	s13 =	simm.s32 $0xC980  }
0x15: {  	s14 =	simm.s32 $0xD180;
	s15 =	simm.s32 $0xD980;
	s16 =	simm.s32 $0xE180  }
0x16: {  	s17 =	simm.s32 $0xE980;
	s18 =	simm.s32 $0xF180;
	s11 =	smul.u32 $0x24, s9  }
0x17: {  	s7 =	sadd.s32 s10, s7;
	s10 =	simm.s32 $0x2980;
	[dreg:$0x1d] =	wrdreg s31  }
0x18: {  	s7 =	sadd.s32 s26, s7;
	[dreg:$0xd] =	wrdreg s10;
	s26 =	simm.s32 $0x9180  }
0x19: {  	s9 =	smul.u32 $0x2400, s9;
	s5 =	sadd.s32 s5, s11;
	[dreg:$0x1a] =	wrdreg s26  }
0x1a: {  	s19 =	simm.s32 $0xF980;
	s29 =	sadd.s32 $0x1000, s7;
	[dreg:$0x6] =	wrdreg s5  }
0x1b: {  	s21 =	simm.s32 $0x10980;
	s30 =	sadd.s32 s6, s9;
	[dreg:$0x7] =	wrdreg s29  }
0x1c: {  	s23 =	simm.s32 $0x11980;
	s6 =	simm.s32 $0x1180;
	[dreg:$0x8] =	wrdreg s30  }
0x1d: {  	s24 =	simm.s32 $0x120;
	s7 =	simm.s32 $0x1980;
	[dreg:$0xa] =	wrdreg s6  }
0x1e: {  	s22 =	sshrl.u32 s20, $0x1;
	s9 =	simm.s32 $0x2180;
	[dreg:$0xb] =	wrdreg s7  }
0x1f: {  	s10 =	simm.s32 $0xB180;
	s11 =	simm.s32 $0x3180;
	[dreg:$0xc] =	wrdreg s9  }
0x20: {  	s26 =	simm.s32 $0x20;
	[dreg:$0xe] =	wrdreg s11;
	s6 =	ssub.s32 s20, s22  }
0x21: {  	s5 =	sadd.s32 s25, s3;
	s29 =	simm.s32 $0x9980;
	s30 =	simm.s32 $0xA180  }
0x22: {  	v3 =	vlaneseq.u32;
	v0 =	vimm.f32 $0.0e+00;
	s7 =	simm.s32 $0x2;
	s9 =	simm.s32 $0x180;
	s11 =	simm.s32 $0xB980  }
0x23: {  	vm0 =	vmmov $0xffff;
	v4 =	vimm.f32 $1.000000000e+00;
	v2 =	vshrl.u32 v3, $0x3;
	s20 =	simm.s32 $0x10180;
	s22 =	simm.s32 $0x11180;
	[dreg:$0x1b] =	wrdreg s29  }
0x24: {  	v1 =	vand.u32 $0x7, v3;
	v3 =	vor.u32 $0x8, v3;
	v2 =	vmul.u32 $0x8, v2;
	s25 =	simm.s32 $0x1;
	s6 =	smax.u32 s6, $0x1;
	[dreg:$0x1c] =	wrdreg s30  }
.LBB2_1:
0x25: {  	s29 =	rddreg [dreg:$0x6]  }
0x26: {  	[tilespmem:s4], [sflag:$0x2] =	stream.linear.gather [hbm4b:s29+s4], $0x120, $0x38;
	[tilespmem:$0x12580] =	vst v63  }
0x27: {  	_ =	swait.ge [sflag:s7], $0x120  }
0x28: {  	[sflag:s7] =	ssyncset.done $0x0  }
0x29: {  	[sflag:s7] =	ssyncadd.s32 $0xFFFFFEE0  }
0x2a: {  	[tilespmem:$0x12180] =	vst v0  }
0x2b: {  	[tilespmem:$0x12190] =	vst v0  }
0x2c: {  	[tilespmem:$0x121A0] =	vst v0  }
0x2d: {  	[tilespmem:$0x121B0] =	vst v0  }
0x2e: {  	[tilespmem:$0x121C0] =	vst v0  }
0x2f: {  	[tilespmem:$0x121D0] =	vst v0  }
0x30: {  	[tilespmem:$0x121E0] =	vst v0  }
0x31: {  	[tilespmem:$0x121F0] =	vst v0  }
0x32: {  	[tilespmem:$0x12200] =	vst v0  }
0x33: {  	[tilespmem:$0x12210] =	vst v0  }
0x34: {  	[tilespmem:$0x12220] =	vst v0  }
0x35: {  	[tilespmem:$0x12230] =	vst v0  }
0x36: {  	[tilespmem:$0x12240] =	vst v0  }
0x37: {  	[tilespmem:$0x12250] =	vst v0  }
0x38: {  	[tilespmem:$0x12260] =	vst v0  }
0x39: {  	[tilespmem:$0x12270] =	vst v0  }
0x3a: {  	[tilespmem:$0x12280] =	vst v0  }
0x3b: {  	[tilespmem:$0x12290] =	vst v0  }
0x3c: {  	[tilespmem:$0x122A0] =	vst v0  }
0x3d: {  	[tilespmem:$0x122B0] =	vst v0  }
0x3e: {  	[tilespmem:$0x122C0] =	vst v0  }
0x3f: {  	[tilespmem:$0x122D0] =	vst v0  }
0x40: {  	[tilespmem:$0x122E0] =	vst v0  }
0x41: {  	[tilespmem:$0x122F0] =	vst v0  }
0x42: {  	[tilespmem:$0x12300] =	vst v0  }
0x43: {  	[tilespmem:$0x12310] =	vst v0  }
0x44: {  	[tilespmem:$0x12320] =	vst v0  }
0x45: {  	[tilespmem:$0x12330] =	vst v0  }
0x46: {  	[tilespmem:$0x12340] =	vst v0  }
0x47: {  	[tilespmem:$0x12350] =	vst v0  }
0x48: {  	[tilespmem:$0x12360] =	vst v0  }
0x49: {  	[tilespmem:$0x12370] =	vst v0  }
0x4a: {  	[spmem:s5] =	stream.linear.scatter [tilespmem:s8], [sflag:$0x2], $0x200, $0x38;
	[tilespmem:$0x12580] =	vst v63  }
0x4b: {  	_ =	swait.ge [sflag:s7], $0x200  }
0x4c: {  	[sflag:s7] =	ssyncset.done $0x0  }
0x4d: {  	[sflag:s7] =	ssyncadd.s32 $0xFFFFFE00  }
0x4e: {  	v5 =	vld [tilespmem:$0x0];
	_ =	sdelay $0x4  }
0x4f: {  	v6 =	vshll.u32 v5, $0x1  }
0x50: {  	v5 =	vand.u32 $0x7, v5;
	v6 =	vand.u32 $0xFFFFFFF0, v6  }
0x51: {  	v5 =	vor.u32 v5, v6  }
0x52: {  	v6 =	vperm.xlane v5, v1;
	_ =	sdelay $0x1  }
0x53: {  	v5 =	vperm.xlane v5, v3;
	v6 =	vadd.s32 v2, v6;
	_ =	sdelay $0x1  }
0x54: {  	v5 =	vadd.s32 v2, v5;
	_ =	sdelay $0x2  }
0x55: {  	[tilespmem:s9], [sflag:$0x1] =	stream.indirect_vreg.gather [hbm4b:s0+s4], $0x80, v6, vm0, $0xb8;
	[tilespmem:$0x12580] =	vst v63  }
0x56: {  	s30 =	rddreg [dreg:$0x9]  }
0x57: {  	[tilespmem:s30], [sflag:$0x1] =	stream.indirect_vreg.gather [hbm4b:s0+s4], $0x80, v5, vm0, $0xb8;
	[tilespmem:$0x12580] =	vst v63  }
0x58: {  	v5 =	vld [tilespmem:$0x10];
	_ =	sdelay $0x4  }
0x59: {  	v6 =	vshll.u32 v5, $0x1  }
0x5a: {  	v5 =	vand.u32 $0x7, v5;
	v6 =	vand.u32 $0xFFFFFFF0, v6  }
0x5b: {  	v5 =	vor.u32 v5, v6  }
0x5c: {  	v6 =	vperm.xlane v5, v1;
	_ =	sdelay $0x1  }
0x5d: {  	v5 =	vperm.xlane v5, v3;
	v6 =	vadd.s32 v2, v6;
	_ =	sdelay $0x1  }
0x5e: {  	v5 =	vadd.s32 v2, v5;
	_ =	sdelay $0x1  }
0x5f: {  	s31 =	rddreg [dreg:$0xa]  }
0x60: {  	[tilespmem:s31], [sflag:$0x1] =	stream.indirect_vreg.gather [hbm4b:s0+s4], $0x80, v6, vm0, $0xb8;
	[tilespmem:$0x12580] =	vst v63  }
0x61: {  	s30 =	rddreg [dreg:$0xb]  }
0x62: {  	[tilespmem:s30], [sflag:$0x1] =	stream.indirect_vreg.gather [hbm4b:s0+s4], $0x80, v5, vm0, $0xb8;
	[tilespmem:$0x12580] =	vst v63  }
0x63: {  	v5 =	vld [tilespmem:$0x20];
	_ =	sdelay $0x4  }
0x64: {  	v6 =	vshll.u32 v5, $0x1  }
0x65: {  	v5 =	vand.u32 $0x7, v5;
	v6 =	vand.u32 $0xFFFFFFF0, v6  }
0x66: {  	v5 =	vor.u32 v5, v6  }
0x67: {  	v6 =	vperm.xlane v5, v1;
	_ =	sdelay $0x1  }
0x68: {  	v5 =	vperm.xlane v5, v3;
	v6 =	vadd.s32 v2, v6;
	_ =	sdelay $0x1  }
0x69: {  	v5 =	vadd.s32 v2, v5;
	_ =	sdelay $0x1  }
0x6a: {  	s29 =	rddreg [dreg:$0xc]  }
0x6b: {  	[tilespmem:s29], [sflag:$0x1] =	stream.indirect_vreg.gather [hbm4b:s0+s4], $0x80, v6, vm0, $0xb8;
	[tilespmem:$0x12580] =	vst v63  }
0x6c: {  	s31 =	rddreg [dreg:$0xd]  }
0x6d: {  	[tilespmem:s31], [sflag:$0x1] =	stream.indirect_vreg.gather [hbm4b:s0+s4], $0x80, v5, vm0, $0xb8;
	[tilespmem:$0x12580] =	vst v63  }
0x6e: {  	v5 =	vld [tilespmem:$0x30];
	_ =	sdelay $0x4  }
0x6f: {  	v6 =	vshll.u32 v5, $0x1  }
0x70: {  	v5 =	vand.u32 $0x7, v5;
	v6 =	vand.u32 $0xFFFFFFF0, v6  }
0x71: {  	v5 =	vor.u32 v5, v6  }
0x72: {  	v6 =	vperm.xlane v5, v1;
	_ =	sdelay $0x1  }
0x73: {  	v5 =	vperm.xlane v5, v3;
	v6 =	vadd.s32 v2, v6;
	_ =	sdelay $0x1  }
0x74: {  	v5 =	vadd.s32 v2, v5;
	_ =	sdelay $0x1  }
0x75: {  	s29 =	rddreg [dreg:$0xe]  }
0x76: {  	[tilespmem:s29], [sflag:$0x1] =	stream.indirect_vreg.gather [hbm4b:s0+s4], $0x80, v6, vm0, $0xb8;
	[tilespmem:$0x12580] =	vst v63  }
0x77: {  	s31 =	rddreg [dreg:$0xf]  }
0x78: {  	[tilespmem:s31], [sflag:$0x1] =	stream.indirect_vreg.gather [hbm4b:s0+s4], $0x80, v5, vm0, $0xb8;
	[tilespmem:$0x12580] =	vst v63  }
0x79: {  	v5 =	vld [tilespmem:$0x40];
	_ =	sdelay $0x4  }
0x7a: {  	v6 =	vshll.u32 v5, $0x1  }
0x7b: {  	v5 =	vand.u32 $0x7, v5;
	v6 =	vand.u32 $0xFFFFFFF0, v6  }
0x7c: {  	v5 =	vor.u32 v5, v6  }
0x7d: {  	v6 =	vperm.xlane v5, v1;
	_ =	sdelay $0x1  }
0x7e: {  	v5 =	vperm.xlane v5, v3;
	v6 =	vadd.s32 v2, v6;
	_ =	sdelay $0x1  }
0x7f: {  	v5 =	vadd.s32 v2, v5;
	_ =	sdelay $0x1  }
0x80: {  	s29 =	rddreg [dreg:$0x10]  }
0x81: {  	[tilespmem:s29], [sflag:$0x1] =	stream.indirect_vreg.gather [hbm4b:s0+s4], $0x80, v6, vm0, $0xb8;
	[tilespmem:$0x12580] =	vst v63  }
0x82: {  	s31 =	rddreg [dreg:$0x11]  }
0x83: {  	[tilespmem:s31], [sflag:$0x1] =	stream.indirect_vreg.gather [hbm4b:s0+s4], $0x80, v5, vm0, $0xb8;
	[tilespmem:$0x12580] =	vst v63  }
0x84: {  	v5 =	vld [tilespmem:$0x50];
	_ =	sdelay $0x4  }
0x85: {  	v6 =	vshll.u32 v5, $0x1  }
0x86: {  	v5 =	vand.u32 $0x7, v5;
	v6 =	vand.u32 $0xFFFFFFF0, v6  }
0x87: {  	v5 =	vor.u32 v5, v6  }
0x88: {  	v6 =	vperm.xlane v5, v1;
	_ =	sdelay $0x1  }
0x89: {  	v5 =	vperm.xlane v5, v3;
	v6 =	vadd.s32 v2, v6;
	_ =	sdelay $0x1  }
0x8a: {  	v5 =	vadd.s32 v2, v5;
	_ =	sdelay $0x1  }
0x8b: {  	s29 =	rddreg [dreg:$0x12]  }
0x8c: {  	[tilespmem:s29], [sflag:$0x1] =	stream.indirect_vreg.gather [hbm4b:s0+s4], $0x80, v6, vm0, $0xb8;
	[tilespmem:$0x12580] =	vst v63  }
0x8d: {  	s31 =	rddreg [dreg:$0x13]  }
0x8e: {  	[tilespmem:s31], [sflag:$0x1] =	stream.indirect_vreg.gather [hbm4b:s0+s4], $0x80, v5, vm0, $0xb8;
	[tilespmem:$0x12580] =	vst v63  }
0x8f: {  	v5 =	vld [tilespmem:$0x60];
	_ =	sdelay $0x4  }
0x90: {  	v6 =	vshll.u32 v5, $0x1  }
0x91: {  	v5 =	vand.u32 $0x7, v5;
	v6 =	vand.u32 $0xFFFFFFF0, v6  }
0x92: {  	v5 =	vor.u32 v5, v6  }
0x93: {  	v6 =	vperm.xlane v5, v1;
	_ =	sdelay $0x1  }
0x94: {  	v5 =	vperm.xlane v5, v3;
	v6 =	vadd.s32 v2, v6;
	_ =	sdelay $0x1  }
0x95: {  	v5 =	vadd.s32 v2, v5;
	_ =	sdelay $0x1  }
0x96: {  	s29 =	rddreg [dreg:$0x14]  }
0x97: {  	[tilespmem:s29], [sflag:$0x1] =	stream.indirect_vreg.gather [hbm4b:s0+s4], $0x80, v6, vm0, $0xb8;
	[tilespmem:$0x12580] =	vst v63  }
0x98: {  	s31 =	rddreg [dreg:$0x15]  }
0x99: {  	[tilespmem:s31], [sflag:$0x1] =	stream.indirect_vreg.gather [hbm4b:s0+s4], $0x80, v5, vm0, $0xb8;
	[tilespmem:$0x12580] =	vst v63  }
0x9a: {  	v5 =	vld [tilespmem:$0x70];
	_ =	sdelay $0x4  }
0x9b: {  	v6 =	vshll.u32 v5, $0x1  }
0x9c: {  	v5 =	vand.u32 $0x7, v5;
	v6 =	vand.u32 $0xFFFFFFF0, v6  }
0x9d: {  	v5 =	vor.u32 v5, v6  }
0x9e: {  	v6 =	vperm.xlane v5, v1;
	_ =	sdelay $0x1  }
0x9f: {  	v5 =	vperm.xlane v5, v3;
	v6 =	vadd.s32 v2, v6;
	_ =	sdelay $0x1  }
0xa0: {  	v5 =	vadd.s32 v2, v5;
	_ =	sdelay $0x1  }
0xa1: {  	s29 =	rddreg [dreg:$0x16]  }
0xa2: {  	[tilespmem:s29], [sflag:$0x1] =	stream.indirect_vreg.gather [hbm4b:s0+s4], $0x80, v6, vm0, $0xb8;
	[tilespmem:$0x12580] =	vst v63  }
0xa3: {  	s31 =	rddreg [dreg:$0x17]  }
0xa4: {  	[tilespmem:s31], [sflag:$0x1] =	stream.indirect_vreg.gather [hbm4b:s0+s4], $0x80, v5, vm0, $0xb8;
	[tilespmem:$0x12580] =	vst v63  }
0xa5: {  	v5 =	vld [tilespmem:$0x80];
	_ =	sdelay $0x4  }
0xa6: {  	v6 =	vshll.u32 v5, $0x1  }
0xa7: {  	v5 =	vand.u32 $0x7, v5;
	v6 =	vand.u32 $0xFFFFFFF0, v6  }
0xa8: {  	v5 =	vor.u32 v5, v6  }
0xa9: {  	v6 =	vperm.xlane v5, v1;
	_ =	sdelay $0x1  }
0xaa: {  	v5 =	vperm.xlane v5, v3;
	v6 =	vadd.s32 v2, v6;
	_ =	sdelay $0x1  }
0xab: {  	v5 =	vadd.s32 v2, v5;
	_ =	sdelay $0x1  }
0xac: {  	s29 =	rddreg [dreg:$0x18]  }
0xad: {  	[tilespmem:s29], [sflag:$0x1] =	stream.indirect_vreg.gather [hbm4b:s0+s4], $0x80, v6, vm0, $0xb8;
	[tilespmem:$0x12580] =	vst v63  }
0xae: {  	s31 =	rddreg [dreg:$0x19]  }
0xaf: {  	[tilespmem:s31], [sflag:$0x1] =	stream.indirect_vreg.gather [hbm4b:s0+s4], $0x80, v5, vm0, $0xb8;
	[tilespmem:$0x12580] =	vst v63  }
0xb0: {  	v5 =	vld [tilespmem:$0x90];
	_ =	sdelay $0x4  }
0xb1: {  	v6 =	vshll.u32 v5, $0x1  }
0xb2: {  	v5 =	vand.u32 $0x7, v5;
	v6 =	vand.u32 $0xFFFFFFF0, v6  }
0xb3: {  	v5 =	vor.u32 v5, v6  }
0xb4: {  	v6 =	vperm.xlane v5, v1;
	_ =	sdelay $0x1  }
0xb5: {  	v5 =	vperm.xlane v5, v3;
	v6 =	vadd.s32 v2, v6;
	_ =	sdelay $0x1  }
0xb6: {  	v5 =	vadd.s32 v2, v5;
	_ =	sdelay $0x1  }
0xb7: {  	s29 =	rddreg [dreg:$0x1a]  }
0xb8: {  	[tilespmem:s29], [sflag:$0x1] =	stream.indirect_vreg.gather [hbm4b:s0+s4], $0x80, v6, vm0, $0xb8;
	[tilespmem:$0x12580] =	vst v63  }
0xb9: {  	s31 =	rddreg [dreg:$0x1b]  }
0xba: {  	[tilespmem:s31], [sflag:$0x1] =	stream.indirect_vreg.gather [hbm4b:s0+s4], $0x80, v5, vm0, $0xb8;
	[tilespmem:$0x12580] =	vst v63  }
0xbb: {  	v5 =	vld [tilespmem:$0xA0];
	_ =	sdelay $0x4  }
0xbc: {  	v6 =	vshll.u32 v5, $0x1  }
0xbd: {  	v5 =	vand.u32 $0x7, v5;
	v6 =	vand.u32 $0xFFFFFFF0, v6  }
0xbe: {  	v5 =	vor.u32 v5, v6  }
0xbf: {  	v6 =	vperm.xlane v5, v1;
	_ =	sdelay $0x1  }
0xc0: {  	v5 =	vperm.xlane v5, v3;
	v6 =	vadd.s32 v2, v6;
	_ =	sdelay $0x1  }
0xc1: {  	v5 =	vadd.s32 v2, v5;
	_ =	sdelay $0x1  }
0xc2: {  	s29 =	rddreg [dreg:$0x1c]  }
0xc3: {  	[tilespmem:s29], [sflag:$0x1] =	stream.indirect_vreg.gather [hbm4b:s0+s4], $0x80, v6, vm0, $0xb8;
	[tilespmem:$0x12580] =	vst v63  }
0xc4: {  	s31 =	rddreg [dreg:$0x1d]  }
0xc5: {  	[tilespmem:s31], [sflag:$0x1] =	stream.indirect_vreg.gather [hbm4b:s0+s4], $0x80, v5, vm0, $0xb8;
	[tilespmem:$0x12580] =	vst v63  }
0xc6: {  	v5 =	vld [tilespmem:$0xB0];
	_ =	sdelay $0x4  }
0xc7: {  	v6 =	vshll.u32 v5, $0x1  }
0xc8: {  	v5 =	vand.u32 $0x7, v5;
	v6 =	vand.u32 $0xFFFFFFF0, v6  }
0xc9: {  	v5 =	vor.u32 v5, v6  }
0xca: {  	v6 =	vperm.xlane v5, v1;
	_ =	sdelay $0x1  }
0xcb: {  	v5 =	vperm.xlane v5, v3;
	v6 =	vadd.s32 v2, v6;
	_ =	sdelay $0x1  }
0xcc: {  	v5 =	vadd.s32 v2, v5;
	_ =	sdelay $0x2  }
0xcd: {  	[tilespmem:s10], [sflag:$0x1] =	stream.indirect_vreg.gather [hbm4b:s0+s4], $0x80, v6, vm0, $0xb8;
	[tilespmem:$0x12580] =	vst v63  }
0xce: {  	_ = 	snop  }
0xcf: {  	[tilespmem:s11], [sflag:$0x1] =	stream.indirect_vreg.gather [hbm4b:s0+s4], $0x80, v5, vm0, $0xb8;
	[tilespmem:$0x12580] =	vst v63  }
0xd0: {  	v5 =	vld [tilespmem:$0xC0];
	_ =	sdelay $0x4  }
0xd1: {  	v6 =	vshll.u32 v5, $0x1  }
0xd2: {  	v5 =	vand.u32 $0x7, v5;
	v6 =	vand.u32 $0xFFFFFFF0, v6  }
0xd3: {  	v5 =	vor.u32 v5, v6  }
0xd4: {  	v6 =	vperm.xlane v5, v1;
	_ =	sdelay $0x1  }
0xd5: {  	v5 =	vperm.xlane v5, v3;
	v6 =	vadd.s32 v2, v6;
	_ =	sdelay $0x1  }
0xd6: {  	v5 =	vadd.s32 v2, v5;
	_ =	sdelay $0x2  }
0xd7: {  	[tilespmem:s12], [sflag:$0x1] =	stream.indirect_vreg.gather [hbm4b:s0+s4], $0x80, v6, vm0, $0xb8;
	[tilespmem:$0x12580] =	vst v63  }
0xd8: {  	_ = 	snop  }
0xd9: {  	[tilespmem:s13], [sflag:$0x1] =	stream.indirect_vreg.gather [hbm4b:s0+s4], $0x80, v5, vm0, $0xb8;
	[tilespmem:$0x12580] =	vst v63  }
0xda: {  	v5 =	vld [tilespmem:$0xD0];
	_ =	sdelay $0x4  }
0xdb: {  	v6 =	vshll.u32 v5, $0x1  }
0xdc: {  	v5 =	vand.u32 $0x7, v5;
	v6 =	vand.u32 $0xFFFFFFF0, v6  }
0xdd: {  	v5 =	vor.u32 v5, v6  }
0xde: {  	v6 =	vperm.xlane v5, v1;
	_ =	sdelay $0x1  }
0xdf: {  	v5 =	vperm.xlane v5, v3;
	v6 =	vadd.s32 v2, v6;
	_ =	sdelay $0x1  }
0xe0: {  	v5 =	vadd.s32 v2, v5;
	_ =	sdelay $0x2  }
0xe1: {  	[tilespmem:s14], [sflag:$0x1] =	stream.indirect_vreg.gather [hbm4b:s0+s4], $0x80, v6, vm0, $0xb8;
	[tilespmem:$0x12580] =	vst v63  }
0xe2: {  	_ = 	snop  }
0xe3: {  	[tilespmem:s15], [sflag:$0x1] =	stream.indirect_vreg.gather [hbm4b:s0+s4], $0x80, v5, vm0, $0xb8;
	[tilespmem:$0x12580] =	vst v63  }
0xe4: {  	v5 =	vld [tilespmem:$0xE0];
	_ =	sdelay $0x4  }
0xe5: {  	v6 =	vshll.u32 v5, $0x1  }
0xe6: {  	v5 =	vand.u32 $0x7, v5;
	v6 =	vand.u32 $0xFFFFFFF0, v6  }
0xe7: {  	v5 =	vor.u32 v5, v6  }
0xe8: {  	v6 =	vperm.xlane v5, v1;
	_ =	sdelay $0x1  }
0xe9: {  	v5 =	vperm.xlane v5, v3;
	v6 =	vadd.s32 v2, v6;
	_ =	sdelay $0x1  }
0xea: {  	v5 =	vadd.s32 v2, v5;
	_ =	sdelay $0x2  }
0xeb: {  	[tilespmem:s16], [sflag:$0x1] =	stream.indirect_vreg.gather [hbm4b:s0+s4], $0x80, v6, vm0, $0xb8;
	[tilespmem:$0x12580] =	vst v63  }
0xec: {  	_ = 	snop  }
0xed: {  	[tilespmem:s17], [sflag:$0x1] =	stream.indirect_vreg.gather [hbm4b:s0+s4], $0x80, v5, vm0, $0xb8;
	[tilespmem:$0x12580] =	vst v63  }
0xee: {  	v5 =	vld [tilespmem:$0xF0];
	_ =	sdelay $0x4  }
0xef: {  	v6 =	vshll.u32 v5, $0x1  }
0xf0: {  	v5 =	vand.u32 $0x7, v5;
	v6 =	vand.u32 $0xFFFFFFF0, v6  }
0xf1: {  	v5 =	vor.u32 v5, v6  }
0xf2: {  	v6 =	vperm.xlane v5, v1;
	_ =	sdelay $0x1  }
0xf3: {  	v5 =	vperm.xlane v5, v3;
	v6 =	vadd.s32 v2, v6;
	_ =	sdelay $0x1  }
0xf4: {  	v5 =	vadd.s32 v2, v5;
	_ =	sdelay $0x2  }
0xf5: {  	[tilespmem:s18], [sflag:$0x1] =	stream.indirect_vreg.gather [hbm4b:s0+s4], $0x80, v6, vm0, $0xb8;
	[tilespmem:$0x12580] =	vst v63  }
0xf6: {  	_ = 	snop  }
0xf7: {  	[tilespmem:s19], [sflag:$0x1] =	stream.indirect_vreg.gather [hbm4b:s0+s4], $0x80, v5, vm0, $0xb8;
	[tilespmem:$0x12580] =	vst v63  }
0xf8: {  	v5 =	vld [tilespmem:$0x100];
	_ =	sdelay $0x4  }
0xf9: {  	v6 =	vshll.u32 v5, $0x1  }
0xfa: {  	v5 =	vand.u32 $0x7, v5;
	v6 =	vand.u32 $0xFFFFFFF0, v6  }
0xfb: {  	v5 =	vor.u32 v5, v6  }
0xfc: {  	v6 =	vperm.xlane v5, v1;
	_ =	sdelay $0x1  }
0xfd: {  	v5 =	vperm.xlane v5, v3;
	v6 =	vadd.s32 v2, v6;
	_ =	sdelay $0x1  }
0xfe: {  	v5 =	vadd.s32 v2, v5;
	_ =	sdelay $0x2  }
0xff: {  	[tilespmem:s20], [sflag:$0x1] =	stream.indirect_vreg.gather [hbm4b:s0+s4], $0x80, v6, vm0, $0xb8;
	[tilespmem:$0x12580] =	vst v63  }
0x100: {  	_ = 	snop  }
0x101: {  	[tilespmem:s21], [sflag:$0x1] =	stream.indirect_vreg.gather [hbm4b:s0+s4], $0x80, v5, vm0, $0xb8;
	[tilespmem:$0x12580] =	vst v63  }
0x102: {  	v5 =	vld [tilespmem:$0x110];
	_ =	sdelay $0x4  }
0x103: {  	v6 =	vshll.u32 v5, $0x1  }
0x104: {  	v5 =	vand.u32 $0x7, v5;
	v6 =	vand.u32 $0xFFFFFFF0, v6  }
0x105: {  	v5 =	vor.u32 v5, v6  }
0x106: {  	v6 =	vperm.xlane v5, v1;
	_ =	sdelay $0x1  }
0x107: {  	v5 =	vperm.xlane v5, v3;
	v6 =	vadd.s32 v2, v6;
	_ =	sdelay $0x1  }
0x108: {  	v5 =	vadd.s32 v2, v5;
	_ =	sdelay $0x2  }
0x109: {  	[tilespmem:s22], [sflag:$0x1] =	stream.indirect_vreg.gather [hbm4b:s0+s4], $0x80, v6, vm0, $0xb8;
	[tilespmem:$0x12580] =	vst v63  }
0x10a: {  	_ = 	snop  }
0x10b: {  	[tilespmem:s23], [sflag:$0x1] =	stream.indirect_vreg.gather [hbm4b:s0+s4], $0x80, v5, vm0, $0xb8;
	[tilespmem:$0x12580] =	vst v63  }
0x10c: {  	[bflag:$0x0] =	sbarrier.arrive $0xFFFF  }
0x10d: {  	[tilespmem:$0x12180] =	vst v4  }
0x10e: {  	[tilespmem:$0x12190] =	vst v4  }
0x10f: {  	[tilespmem:$0x121A0] =	vst v4  }
0x110: {  	[tilespmem:$0x121B0] =	vst v4  }
0x111: {  	[tilespmem:$0x121C0] =	vst v4  }
0x112: {  	[tilespmem:$0x121D0] =	vst v4  }
0x113: {  	[tilespmem:$0x121E0] =	vst v4  }
0x114: {  	[tilespmem:$0x121F0] =	vst v4  }
0x115: {  	[tilespmem:$0x12200] =	vst v4  }
0x116: {  	[tilespmem:$0x12210] =	vst v4  }
0x117: {  	[tilespmem:$0x12220] =	vst v4  }
0x118: {  	[tilespmem:$0x12230] =	vst v4  }
0x119: {  	[tilespmem:$0x12240] =	vst v4  }
0x11a: {  	[tilespmem:$0x12250] =	vst v4  }
0x11b: {  	[tilespmem:$0x12260] =	vst v4  }
0x11c: {  	[tilespmem:$0x12270] =	vst v4  }
0x11d: {  	[tilespmem:$0x12280] =	vst v4  }
0x11e: {  	[tilespmem:$0x12290] =	vst v4  }
0x11f: {  	[spmem:s3] =	stream.indirect.scatter.add.f32 [tilespmem:s8], [sflag:$0x2], $0x1, s4, s24, $0xb8;
	[tilespmem:$0x12580] =	vst v63  }
0x120: {  	_ =	swait.ge [sflag:s7], $0x120  }
0x121: {  	[sflag:s7] =	ssyncset.done $0x0  }
0x122: {  	[sflag:s7] =	ssyncadd.s32 $0xFFFFFEE0  }
0x123: {  	s31 =	sshll.u32 s1, $0x6;
	[bflag:$0x0] =	sbarrier.arrive $0xFFFF  }
0x124: {  	s30 =	sor.u32 $0x1C02, s31;
	s31 =	sshrl.u32 s5, $0x3;
	s29 =	rddreg [dreg:$0x7]  }
0x125: {  	[hbm:s29@s26], [sflag:s30] =	dma.strided [spmem:s31@s28], $0x40, s25, $0x10   }
0x126: {  	_ =	swait.ge [sflag:s7], $0x40  }
0x127: {  	[sflag:s7] =	ssyncset.done $0x0  }
0x128: {  	[sflag:s7] =	ssyncadd.s32 $0xFFFFFFC0  }
0x129: {  	_ =	swait.ge [sflag:s25], $0x12000  }
0x12a: {  	p0 =	sne.s32 s6, $0x1;
	[sflag:s25] =	ssyncset.done $0x0  }
.Ltmp0:
0x12b: {  	s31 =	rddreg [dreg:$0x8];
	[sflag:s25] =	ssyncadd.s32 $0xFFFEE000;
	(pc) =	sbr.rel @p0 .LBB2_1-.Ltmp0, $4  }
0x12c: {  	[hbm4b:s31+s4] =	stream.linear.scatter [tilespmem:s9], [sflag:$0x2], $0x12000, $0x38;
	[tilespmem:$0x12580] =	vst v63  }
0x12d: {  	_ =	swait.ge [sflag:s7], $0x12000  }
0x12e: {  	[sflag:s7] =	ssyncset.done $0x0  }
0x12f: {  	s6 =	sadd.s32 $0xFFFFFFFF, s6;
	[sflag:s7] =	ssyncadd.s32 $0xFFFEE000  }
0x130: {  	_ =	sfence.sel $0x180000  }
0x131: {  	[bflag:$0x0] =	sbarrier.arrive $0xFFFF  }
0x132: {  	p0 =	sne.s32 s1, $0x0;
	_ =	strace $0x90000047  }
0x133: {  	s0 =	sadd.s32 @!p0 $0x100000, s2;
	[bflag:$0x2] =	sbarrier.arrive $0xFFFF  }
0x134: {  	[sflag:s0] =	ssyncadd.tile.s32 @!p0 $0x1;
	_ =	shalt  }
.Lfunc_end2:
_tile_overlayer_lowered:
.L_overlay_start_2:
0x135: {  	(tag) =	ssettag $0x2  }
0x136: {  	s0 =	rddreg [dreg:$0x0];
	s2 =	stileid.u32  }
0x137: {  	s1 =	rddreg [dreg:$0x1];
	p0 =	sne.s32 s2, $0x0  }
0x138: {  	s3 =	rddreg [dreg:$0x2];
	[bflag:$0x3] =	sbarrier.arrive $0xFFFF;
	s2 =	simm.s32 @!p0 $0x1C02  }
0x139: {  	[timem:s3], [sflag:s2] =	dma.local @!p0 [hbm:s0], s1  }
0x13a: {  	s0 =	simm.s32 @!p0 $0x2  }
0x13b: {  	_ =	swait.ge @!p0 [sflag:s0], s1  }
0x13c: {  	s1 =	ssub.s32 @!p0 $0x0, s1;
	[sflag:s0] =	ssyncset.done @!p0 $0x0  }
0x13d: {  	[sflag:s0] =	ssyncadd.s32 @!p0 s1  }
0x13e: {  	[bflag:$0x3] =	sbarrier.arrive $0xFFFF  }
0x13f: {  	_ =	shalt  }

</sc_bundles>
